<compile_context>
chip_gen: v7x
topology: tpu7x:2x2x1
jax: 0.10.2.dev20260603
libtpu: 0.0.44.dev20260713+nightly
codegen_flags: <defaults>
</compile_context>

<pallas_src>
import functools

import jax
import jax.numpy as jnp
from jax import lax
from jax.experimental import pallas as pl
from jax.experimental.pallas import tpu as pltpu
from jax.experimental.pallas import tpu_sc as plsc

N = 10000
E = 320000
D = 128
G = 64
OUT = 10

NC = 2
NS = 16
NW = NC * NS
EK = 80
NCHUNK = -(-E // (NW * EK))
NPAIR = NCHUNK // 2
EPT = NCHUNK * EK
E2 = NW * EPT
NP = 10240
RPS = NP // NS
WB = 128


def _sc_aggregate(h, srcg, dstg):
    mesh = plsc.VectorSubcoreMesh(core_axis_name="c", subcore_axis_name="s")

    @functools.partial(
        pl.kernel,
        out_type=jax.ShapeDtypeStruct((NC * NP, D), jnp.float32),
        mesh=mesh,
        scratch_types=[
            pltpu.VMEM((EK,), jnp.int32),
            pltpu.VMEM((EK,), jnp.int32),
            pltpu.VMEM((EK,), jnp.int32),
            pltpu.VMEM((EK,), jnp.int32),
            pltpu.VMEM((EK, D), jnp.float32),
            pltpu.VMEM((EK, D), jnp.float32),
            pltpu.VMEM((WB, D), jnp.float32),
            pltpu.VMEM_SHARED((NP, D), jnp.float32),
            pltpu.SemaphoreType.DMA,
            pltpu.SemaphoreType.DMA,
            pltpu.SemaphoreType.DMA,
            pltpu.SemaphoreType.DMA,
        ],
    )
    def agg_kernel(h_hbm, src_hbm, dst_hbm, out_hbm, srcA, dstA, srcB, dstB,
                   rowsA, rowsB, wb_v, acc_sh, semIA, semIB, semGA, semGB):
        cid = lax.axis_index("c")
        sid = lax.axis_index("s")
        wid = sid * NC + cid

        zero16 = jnp.zeros((16,), jnp.float32)

        def zero_row(i, carry):
            for j in range(D // 16):
                wb_v[i, pl.ds(j * 16, 16)] = zero16
            return carry

        lax.fori_loop(0, WB, zero_row, 0)
        rbase = sid * RPS
        for t in range(RPS // WB):
            pltpu.sync_copy(wb_v, acc_sh.at[pl.ds(rbase + t * WB, WB)])
        plsc.subcore_barrier()

        ebase = wid * NCHUNK * EK

        def idx_cpy(j, sv, dv, sem):
            base = ebase + j * EK
            pltpu.async_copy(src_hbm.at[pl.ds(base, EK)], sv, sem)
            pltpu.async_copy(dst_hbm.at[pl.ds(base, EK)], dv, sem)

        def idx_drain(j, sv, dv, sem):
            base = ebase + j * EK
            pltpu.make_async_copy(src_hbm.at[pl.ds(base, EK)], sv, sem).wait()
            pltpu.make_async_copy(dst_hbm.at[pl.ds(base, EK)], dv, sem).wait()

        idx_cpy(0, srcA, dstA, semIA)
        idx_drain(0, srcA, dstA, semIA)
        pltpu.async_copy(h_hbm.at[srcA], rowsA, semGA)
        idx_cpy(1, srcB, dstB, semIB)

        def pair(jj, carry):
            j0 = 2 * jj
            j1 = j0 + 1
            idx_drain(j1, srcB, dstB, semIB)
            pltpu.async_copy(h_hbm.at[srcB], rowsB, semGB)
            pltpu.make_async_copy(h_hbm.at[srcA], rowsA, semGA).wait()
            idx_cpy(j0 + 2, srcA, dstA, semIA)
            pltpu.sync_copy(rowsA, acc_sh.at[dstA], add=True)
            idx_drain(j0 + 2, srcA, dstA, semIA)
            pltpu.async_copy(h_hbm.at[srcA], rowsA, semGA)
            pltpu.make_async_copy(h_hbm.at[srcB], rowsB, semGB).wait()

            @pl.when(jj < NPAIR - 1)
            def _():
                idx_cpy(j1 + 2, srcB, dstB, semIB)

            pltpu.sync_copy(rowsB, acc_sh.at[dstB], add=True)
            return carry

        lax.fori_loop(0, NPAIR, pair, 0)
        pltpu.make_async_copy(h_hbm.at[srcA], rowsA, semGA).wait()
        pltpu.sync_copy(rowsA, acc_sh.at[dstA], add=True)
        plsc.subcore_barrier()

        obase = cid * NP + rbase
        for t in range(RPS // WB):
            pltpu.sync_copy(acc_sh.at[pl.ds(rbase + t * WB, WB)], wb_v)
            pltpu.sync_copy(wb_v, out_hbm.at[pl.ds(obase + t * WB, WB)])

    return agg_kernel(h, srcg, dstg)


def _mlp_kernel(h_ref, p_ref, wa_ref, ba_ref, g_ref, be_ref, wb_ref, bb_ref,
                out_ref):
    z = h_ref[...] + p_ref[0:N, :] + p_ref[NP:NP + N, :]
    t = jax.lax.dot_general(z, wa_ref[...], (((1,), (0,)), ((), ())),
                            precision=lax.Precision.HIGHEST,
                            preferred_element_type=jnp.float32)
    t = t + ba_ref[...]
    m = jnp.mean(t, axis=0, keepdims=True)
    v = jnp.mean((t - m) * (t - m), axis=0, keepdims=True)
    t = (t - m) * jax.lax.rsqrt(v + 1e-5) * g_ref[...] + be_ref[...]
    t = jnp.maximum(t, 0.0)
    t = jax.lax.dot_general(t, wb_ref[...], (((1,), (0,)), ((), ())),
                            precision=lax.Precision.HIGHEST,
                            preferred_element_type=jnp.float32)
    out_ref[...] = jnp.maximum(t + bb_ref[...], 0.0)


def _tc_mlp(h, partials, Wa, ba, g, be, Wb, bb):
    return pl.pallas_call(
        _mlp_kernel,
        out_shape=jax.ShapeDtypeStruct((N, D), jnp.float32),
    )(h, partials, Wa, ba.reshape(1, -1), g.reshape(1, -1),
      be.reshape(1, -1), Wb, bb.reshape(1, -1))


def _head_kernel(h1_ref, h2_ref, batch_ref, wl1_ref, bl1_ref, wl2_ref,
                 bl2_ref, out_ref):
    seg = lax.broadcasted_iota(jnp.int32, (N, G), 1)
    onehot = jnp.where(seg == batch_ref[...], 1.0, 0.0).astype(jnp.float32)
    p1 = jax.lax.dot_general(onehot, h1_ref[...], (((0,), (0,)), ((), ())),
                             precision=lax.Precision.HIGHEST,
                             preferred_element_type=jnp.float32)
    p2 = jax.lax.dot_general(onehot, h2_ref[...], (((0,), (0,)), ((), ())),
                             precision=lax.Precision.HIGHEST,
                             preferred_element_type=jnp.float32)
    hcat = jnp.concatenate([p1, p2], axis=1)
    a = jax.lax.dot_general(hcat, wl1_ref[...], (((1,), (0,)), ((), ())),
                            precision=lax.Precision.HIGHEST,
                            preferred_element_type=jnp.float32)
    a = jnp.maximum(a + bl1_ref[...], 0.0)
    o = jax.lax.dot_general(a, wl2_ref[...], (((1,), (0,)), ((), ())),
                            precision=lax.Precision.HIGHEST,
                            preferred_element_type=jnp.float32)
    o = o + bl2_ref[...]
    mx = jnp.max(o, axis=1, keepdims=True)
    s = o - mx
    lse = jnp.log(jnp.sum(jnp.exp(s), axis=1, keepdims=True))
    out_ref[...] = s - lse


def _tc_head(h1, h2, batch, Wl1, bl1, Wl2, bl2):
    return pl.pallas_call(
        _head_kernel,
        out_shape=jax.ShapeDtypeStruct((G, OUT), jnp.float32),
    )(h1, h2, batch.reshape(N, 1), Wl1, bl1.reshape(1, -1), Wl2,
      bl2.reshape(1, -1))


def kernel(x, edge_index, batch, W1a, b1a, g1, be1, W1b, b1b, W2a, b2a, g2,
           be2, W2b, b2b, Wl1, bl1, Wl2, bl2):
    pad = E2 - E
    srcg = jnp.concatenate([edge_index[0], jnp.zeros((pad,), jnp.int32)])
    dstg = jnp.concatenate([edge_index[1], jnp.full((pad,), N, jnp.int32)])
    a1 = _sc_aggregate(x, srcg, dstg)
    h1 = _tc_mlp(x, a1, W1a, b1a, g1, be1, W1b, b1b)
    a2 = _sc_aggregate(h1, srcg, dstg)
    h2 = _tc_mlp(h1, a2, W2a, b2a, g2, be2, W2b, b2b)
    return _tc_head(h1, h2, batch, Wl1, bl1, Wl2, bl2)

# --- scband reference (transcript-rebuilt; emitter-appended) ---
"""Pipeline reference for scband-gin-11647951307430 (READ-ONLY COPY).

The authoritative reference and input builder live on the scoring server;
editing this copy changes nothing except your own understanding.
"""

import jax, jax.numpy as jnp
import numpy as np

N = 10000
E = 320000
D = 128
H = 128
G = 64
OUT = 10

def _init(key, shape, fan_in):
    return (jax.random.normal(key, shape, dtype=jnp.float32) / np.sqrt(fan_in)).astype(jnp.float32)

def setup_inputs(seed: int = 0):
    key = jax.random.key(seed)
    ks = jax.random.split(key, 16)
    inp = {}
    inp['x'] = jax.random.normal(ks[0], (N, D), dtype=jnp.float32)
    inp['edge_index'] = jax.random.randint(ks[1], (2, E), 0, N, dtype=jnp.int32)
    inp['batch'] = jnp.sort(jax.random.randint(ks[2], (N,), 0, G, dtype=jnp.int32))
    inp['W1a'] = _init(ks[3], (D, H), D)
    inp['b1a'] = jnp.zeros((H,), jnp.float32)
    inp['g1'] = jnp.ones((H,), jnp.float32)
    inp['be1'] = jnp.zeros((H,), jnp.float32)
    inp['W1b'] = _init(ks[4], (H, H), H)
    inp['b1b'] = jnp.zeros((H,), jnp.float32)
    inp['W2a'] = _init(ks[5], (H, H), H)
    inp['b2a'] = jnp.zeros((H,), jnp.float32)
    inp['g2'] = jnp.ones((H,), jnp.float32)
    inp['be2'] = jnp.zeros((H,), jnp.float32)
    inp['W2b'] = _init(ks[6], (H, H), H)
    inp['b2b'] = jnp.zeros((H,), jnp.float32)
    inp['Wl1'] = _init(ks[7], (2 * H, 3 * H), 2 * H)
    inp['bl1'] = jnp.zeros((3 * H,), jnp.float32)
    inp['Wl2'] = _init(ks[8], (3 * H, OUT), 3 * H)
    inp['bl2'] = jnp.zeros((OUT,), jnp.float32)
    return inp

def _gin_conv(h, edge_index, Wa, ba, g, be, Wb, bb):
    # GINConv: mlp((1+eps)*x + sum_{j in N(i)} x_j), eps=0 default
    src = edge_index[0]
    dst = edge_index[1]
    agg = jnp.zeros_like(h).at[dst].add(h[src])
    z = h + agg
    z = z @ Wa + ba
    # BatchNorm1d (training-mode batch statistics)
    m = jnp.mean(z, axis=0)
    v = jnp.var(z, axis=0)
    z = (z - m) / jnp.sqrt(v + 1e-5) * g + be
    z = jax.nn.relu(z)
    z = z @ Wb + bb
    return jax.nn.relu(z)

def reference(x, edge_index, batch, W1a, b1a, g1, be1, W1b, b1b, W2a, b2a, g2, be2, W2b, b2b, Wl1, bl1, Wl2, bl2):
    h1 = _gin_conv(x, edge_index, W1a, b1a, g1, be1, W1b, b1b)
    h2 = _gin_conv(h1, edge_index, W2a, b2a, g2, be2, W2b, b2b)
    p1 = jax.ops.segment_sum(h1, batch, num_segments=G)
    p2 = jax.ops.segment_sum(h2, batch, num_segments=G)
    h = jnp.concatenate([p1, p2], axis=1)
    h = jax.nn.relu(h @ Wl1 + bl1)
    h = h @ Wl2 + bl2
    return jax.nn.log_softmax(h, axis=1)

if __name__ == "__main__":
    import jax
    _d = setup_inputs()
    print(jax.jit(kernel)(*tuple(_d.values())))

</pallas_src>

<mosaic_0001>
#map = affine_map<(d0, d1) -> (0, 0)>
#map1 = affine_map<(d0, d1) -> (0)>
module attributes {stable_mosaic.version = 14 : i64} {
  func.func @agg_kernel(%arg0: i32, %arg1: i32, %arg2: memref<10000x128xf32, #tpu.memory_space<hbm>>, %arg3: memref<320000xi32, #tpu.memory_space<hbm>>, %arg4: memref<320000xi32, #tpu.memory_space<hbm>>, %arg5: memref<20480x128xf32, #tpu.memory_space<hbm>>, %arg6: memref<80xi32, #tpu.memory_space<vmem>>, %arg7: memref<80xi32, #tpu.memory_space<vmem>>, %arg8: memref<80xi32, #tpu.memory_space<vmem>>, %arg9: memref<80xi32, #tpu.memory_space<vmem>>, %arg10: memref<80x128xf32, #tpu.memory_space<vmem>>, %arg11: memref<80x128xf32, #tpu.memory_space<vmem>>, %arg12: memref<128x128xf32, #tpu.memory_space<vmem>>, %arg13: memref<10240x128xf32, #tpu.memory_space<vmem_shared>>, %arg14: memref<!tpu.dma_semaphore, #tpu.memory_space<semaphore_mem>>, %arg15: memref<!tpu.dma_semaphore, #tpu.memory_space<semaphore_mem>>, %arg16: memref<!tpu.dma_semaphore, #tpu.memory_space<semaphore_mem>>, %arg17: memref<!tpu.dma_semaphore, #tpu.memory_space<semaphore_mem>>) attributes {dimension_semantics = [#tpu.dimension_semantics<core_parallel>, #tpu.dimension_semantics<subcore_parallel>], iteration_bounds = array<i64: 2, 16>, scalar_prefetch = 0 : i64, scratch_operands = 12 : i64, tpu.core_type = #tpu.core_type<sc_vector_subcore>, window_params = [{transform_indices = #map}, {transform_indices = #map1}, {transform_indices = #map1}, {transform_indices = #map}]} {
    %mul3A = arith.constant 2 : i32
    %mul3A_0 = arith.muli %arg1, %mul3A : i32
    %add3A = arith.addi %mul3A_0, %arg0 : i32
    %broadcast_in_dim3A = arith.constant 0.000000e+00 : f32
    %broadcast_in_dim3A_1 = vector.broadcast %broadcast_in_dim3A : f32 to vector<16xf32>
    %scan3A = arith.constant 0 : i32
    %scan3A_2 = arith.constant 0 : i32
    %scan3A_3 = arith.constant 128 : i32
    %scan3A_4 = arith.addi %scan3A_2, %scan3A_3 : i32
    %scan3A_5 = arith.constant 1 : i32
    scf.for %scan3A_75 = %scan3A_2 to %scan3A_4 step %scan3A_5  : i32 {
      %swap3A = arith.index_cast %scan3A_75 : i32 to index
      %swap3A_76 = arith.constant 0 : index
      %swap3A_77 = tpu.vector_load %arg12[%swap3A, %swap3A_76] {strides = array<i32>} : memref<128x128xf32, #tpu.memory_space<vmem>>, vector<1x16xf32>,
      %swap3A_78 = vector.shape_cast %swap3A_77 : vector<1x16xf32> to vector<16xf32>
      %swap3A_79 = vector.shape_cast %broadcast_in_dim3A_1 : vector<16xf32> to vector<1x16xf32>
      tpu.vector_store %arg12[%swap3A, %swap3A_76], %swap3A_79 {strides = array<i32>} : memref<128x128xf32, #tpu.memory_space<vmem>>, vector<1x16xf32>,
      %swap3A_80 = arith.index_cast %scan3A_75 : i32 to index
      %swap3A_81 = arith.constant 16 : index
      %swap3A_82 = tpu.vector_load %arg12[%swap3A_80, %swap3A_81] {strides = array<i32>} : memref<128x128xf32, #tpu.memory_space<vmem>>, vector<1x16xf32>,
      %swap3A_83 = vector.shape_cast %swap3A_82 : vector<1x16xf32> to vector<16xf32>
      %swap3A_84 = vector.shape_cast %broadcast_in_dim3A_1 : vector<16xf32> to vector<1x16xf32>
      tpu.vector_store %arg12[%swap3A_80, %swap3A_81], %swap3A_84 {strides = array<i32>} : memref<128x128xf32, #tpu.memory_space<vmem>>, vector<1x16xf32>,
      %swap3A_85 = arith.index_cast %scan3A_75 : i32 to index
      %swap3A_86 = arith.constant 32 : index
      %swap3A_87 = tpu.vector_load %arg12[%swap3A_85, %swap3A_86] {strides = array<i32>} : memref<128x128xf32, #tpu.memory_space<vmem>>, vector<1x16xf32>,
      %swap3A_88 = vector.shape_cast %swap3A_87 : vector<1x16xf32> to vector<16xf32>
      %swap3A_89 = vector.shape_cast %broadcast_in_dim3A_1 : vector<16xf32> to vector<1x16xf32>
      tpu.vector_store %arg12[%swap3A_85, %swap3A_86], %swap3A_89 {strides = array<i32>} : memref<128x128xf32, #tpu.memory_space<vmem>>, vector<1x16xf32>,
      %swap3A_90 = arith.index_cast %scan3A_75 : i32 to index
      %swap3A_91 = arith.constant 48 : index
      %swap3A_92 = tpu.vector_load %arg12[%swap3A_90, %swap3A_91] {strides = array<i32>} : memref<128x128xf32, #tpu.memory_space<vmem>>, vector<1x16xf32>,
      %swap3A_93 = vector.shape_cast %swap3A_92 : vector<1x16xf32> to vector<16xf32>
      %swap3A_94 = vector.shape_cast %broadcast_in_dim3A_1 : vector<16xf32> to vector<1x16xf32>
      tpu.vector_store %arg12[%swap3A_90, %swap3A_91], %swap3A_94 {strides = array<i32>} : memref<128x128xf32, #tpu.memory_space<vmem>>, vector<1x16xf32>,
      %swap3A_95 = arith.index_cast %scan3A_75 : i32 to index
      %swap3A_96 = arith.constant 64 : index
      %swap3A_97 = tpu.vector_load %arg12[%swap3A_95, %swap3A_96] {strides = array<i32>} : memref<128x128xf32, #tpu.memory_space<vmem>>, vector<1x16xf32>,
      %swap3A_98 = vector.shape_cast %swap3A_97 : vector<1x16xf32> to vector<16xf32>
      %swap3A_99 = vector.shape_cast %broadcast_in_dim3A_1 : vector<16xf32> to vector<1x16xf32>
      tpu.vector_store %arg12[%swap3A_95, %swap3A_96], %swap3A_99 {strides = array<i32>} : memref<128x128xf32, #tpu.memory_space<vmem>>, vector<1x16xf32>,
      %swap3A_100 = arith.index_cast %scan3A_75 : i32 to index
      %swap3A_101 = arith.constant 80 : index
      %swap3A_102 = tpu.vector_load %arg12[%swap3A_100, %swap3A_101] {strides = array<i32>} : memref<128x128xf32, #tpu.memory_space<vmem>>, vector<1x16xf32>,
      %swap3A_103 = vector.shape_cast %swap3A_102 : vector<1x16xf32> to vector<16xf32>
      %swap3A_104 = vector.shape_cast %broadcast_in_dim3A_1 : vector<16xf32> to vector<1x16xf32>
      tpu.vector_store %arg12[%swap3A_100, %swap3A_101], %swap3A_104 {strides = array<i32>} : memref<128x128xf32, #tpu.memory_space<vmem>>, vector<1x16xf32>,
      %swap3A_105 = arith.index_cast %scan3A_75 : i32 to index
      %swap3A_106 = arith.constant 96 : index
      %swap3A_107 = tpu.vector_load %arg12[%swap3A_105, %swap3A_106] {strides = array<i32>} : memref<128x128xf32, #tpu.memory_space<vmem>>, vector<1x16xf32>,
      %swap3A_108 = vector.shape_cast %swap3A_107 : vector<1x16xf32> to vector<16xf32>
      %swap3A_109 = vector.shape_cast %broadcast_in_dim3A_1 : vector<16xf32> to vector<1x16xf32>
      tpu.vector_store %arg12[%swap3A_105, %swap3A_106], %swap3A_109 {strides = array<i32>} : memref<128x128xf32, #tpu.memory_space<vmem>>, vector<1x16xf32>,
      %swap3A_110 = arith.index_cast %scan3A_75 : i32 to index
      %swap3A_111 = arith.constant 112 : index
      %swap3A_112 = tpu.vector_load %arg12[%swap3A_110, %swap3A_111] {strides = array<i32>} : memref<128x128xf32, #tpu.memory_space<vmem>>, vector<1x16xf32>,
      %swap3A_113 = vector.shape_cast %swap3A_112 : vector<1x16xf32> to vector<16xf32>
      %swap3A_114 = vector.shape_cast %broadcast_in_dim3A_1 : vector<16xf32> to vector<1x16xf32>
      tpu.vector_store %arg12[%swap3A_110, %swap3A_111], %swap3A_114 {strides = array<i32>} : memref<128x128xf32, #tpu.memory_space<vmem>>, vector<1x16xf32>,
    }
    %scan3A_6 = arith.constant 128 : i32
    %mul3A_7 = arith.constant 640 : i32
    %mul3A_8 = arith.muli %arg1, %mul3A_7 : i32
    %add3A_9 = arith.constant 0 : i32
    %add3A_10 = arith.addi %mul3A_8, %add3A_9 : i32
    "tpu.region"() ({
      %run_scoped3A = tpu.sem_alloc : memref<!tpu.dma_semaphore, #tpu.memory_space<semaphore_mem>>
      %dma_start3A_75 = arith.constant 0 : i32
      %dma_start3A_76 = tpu.memref_slice %arg13[%add3A_10, %dma_start3A_75] : memref<10240x128xf32, #tpu.memory_space<vmem_shared>> -> memref<128x128xf32, #tpu.memory_space<vmem_shared>>
      %dma_start3A_77 = arith.constant 0 : i32
      %dma_start3A_78 = tpu.memref_slice %arg13[%add3A_10, %dma_start3A_77] : memref<10240x128xf32, #tpu.memory_space<vmem_shared>> -> memref<128x128xf32, #tpu.memory_space<vmem_shared>>
      tpu.enqueue_dma source(%arg12 : memref<128x128xf32, #tpu.memory_space<vmem>>) target(%dma_start3A_78 : memref<128x128xf32, #tpu.memory_space<vmem_shared>>) target_semaphore(%run_scoped3A : memref<!tpu.dma_semaphore, #tpu.memory_space<semaphore_mem>>)
      %dma_wait3A_79 = arith.constant 0 : i32
      %dma_wait3A_80 = tpu.memref_slice %arg13[%add3A_10, %dma_wait3A_79] : memref<10240x128xf32, #tpu.memory_space<vmem_shared>> -> memref<128x128xf32, #tpu.memory_space<vmem_shared>>
      %dma_wait3A_81 = arith.constant 0 : i32
      %dma_wait3A_82 = tpu.memref_slice %arg13[%add3A_10, %dma_wait3A_81] : memref<10240x128xf32, #tpu.memory_space<vmem_shared>> -> memref<128x128xf32, #tpu.memory_space<vmem_shared>>
      tpu.wait_dma2 semaphore(%run_scoped3A : memref<!tpu.dma_semaphore, #tpu.memory_space<semaphore_mem>>) src(%arg12 : memref<128x128xf32, #tpu.memory_space<vmem>>) dst(%dma_wait3A_82 : memref<128x128xf32, #tpu.memory_space<vmem_shared>>)
      tpu.yield
    }) : () -> ()
    %add3A_11 = arith.constant 128 : i32
    %add3A_12 = arith.addi %mul3A_8, %add3A_11 : i32
    "tpu.region"() ({
      %run_scoped3A = tpu.sem_alloc : memref<!tpu.dma_semaphore, #tpu.memory_space<semaphore_mem>>
      %dma_start3A_75 = arith.constant 0 : i32
      %dma_start3A_76 = tpu.memref_slice %arg13[%add3A_12, %dma_start3A_75] : memref<10240x128xf32, #tpu.memory_space<vmem_shared>> -> memref<128x128xf32, #tpu.memory_space<vmem_shared>>
      %dma_start3A_77 = arith.constant 0 : i32
      %dma_start3A_78 = tpu.memref_slice %arg13[%add3A_12, %dma_start3A_77] : memref<10240x128xf32, #tpu.memory_space<vmem_shared>> -> memref<128x128xf32, #tpu.memory_space<vmem_shared>>
      tpu.enqueue_dma source(%arg12 : memref<128x128xf32, #tpu.memory_space<vmem>>) target(%dma_start3A_78 : memref<128x128xf32, #tpu.memory_space<vmem_shared>>) target_semaphore(%run_scoped3A : memref<!tpu.dma_semaphore, #tpu.memory_space<semaphore_mem>>)
      %dma_wait3A_79 = arith.constant 0 : i32
      %dma_wait3A_80 = tpu.memref_slice %arg13[%add3A_12, %dma_wait3A_79] : memref<10240x128xf32, #tpu.memory_space<vmem_shared>> -> memref<128x128xf32, #tpu.memory_space<vmem_shared>>
      %dma_wait3A_81 = arith.constant 0 : i32
      %dma_wait3A_82 = tpu.memref_slice %arg13[%add3A_12, %dma_wait3A_81] : memref<10240x128xf32, #tpu.memory_space<vmem_shared>> -> memref<128x128xf32, #tpu.memory_space<vmem_shared>>
      tpu.wait_dma2 semaphore(%run_scoped3A : memref<!tpu.dma_semaphore, #tpu.memory_space<semaphore_mem>>) src(%arg12 : memref<128x128xf32, #tpu.memory_space<vmem>>) dst(%dma_wait3A_82 : memref<128x128xf32, #tpu.memory_space<vmem_shared>>)
      tpu.yield
    }) : () -> ()
    %add3A_13 = arith.constant 256 : i32
    %add3A_14 = arith.addi %mul3A_8, %add3A_13 : i32
    "tpu.region"() ({
      %run_scoped3A = tpu.sem_alloc : memref<!tpu.dma_semaphore, #tpu.memory_space<semaphore_mem>>
      %dma_start3A_75 = arith.constant 0 : i32
      %dma_start3A_76 = tpu.memref_slice %arg13[%add3A_14, %dma_start3A_75] : memref<10240x128xf32, #tpu.memory_space<vmem_shared>> -> memref<128x128xf32, #tpu.memory_space<vmem_shared>>
      %dma_start3A_77 = arith.constant 0 : i32
      %dma_start3A_78 = tpu.memref_slice %arg13[%add3A_14, %dma_start3A_77] : memref<10240x128xf32, #tpu.memory_space<vmem_shared>> -> memref<128x128xf32, #tpu.memory_space<vmem_shared>>
      tpu.enqueue_dma source(%arg12 : memref<128x128xf32, #tpu.memory_space<vmem>>) target(%dma_start3A_78 : memref<128x128xf32, #tpu.memory_space<vmem_shared>>) target_semaphore(%run_scoped3A : memref<!tpu.dma_semaphore, #tpu.memory_space<semaphore_mem>>)
      %dma_wait3A_79 = arith.constant 0 : i32
      %dma_wait3A_80 = tpu.memref_slice %arg13[%add3A_14, %dma_wait3A_79] : memref<10240x128xf32, #tpu.memory_space<vmem_shared>> -> memref<128x128xf32, #tpu.memory_space<vmem_shared>>
      %dma_wait3A_81 = arith.constant 0 : i32
      %dma_wait3A_82 = tpu.memref_slice %arg13[%add3A_14, %dma_wait3A_81] : memref<10240x128xf32, #tpu.memory_space<vmem_shared>> -> memref<128x128xf32, #tpu.memory_space<vmem_shared>>
      tpu.wait_dma2 semaphore(%run_scoped3A : memref<!tpu.dma_semaphore, #tpu.memory_space<semaphore_mem>>) src(%arg12 : memref<128x128xf32, #tpu.memory_space<vmem>>) dst(%dma_wait3A_82 : memref<128x128xf32, #tpu.memory_space<vmem_shared>>)
      tpu.yield
    }) : () -> ()
    %add3A_15 = arith.constant 384 : i32
    %add3A_16 = arith.addi %mul3A_8, %add3A_15 : i32
    "tpu.region"() ({
      %run_scoped3A = tpu.sem_alloc : memref<!tpu.dma_semaphore, #tpu.memory_space<semaphore_mem>>
      %dma_start3A_75 = arith.constant 0 : i32
      %dma_start3A_76 = tpu.memref_slice %arg13[%add3A_16, %dma_start3A_75] : memref<10240x128xf32, #tpu.memory_space<vmem_shared>> -> memref<128x128xf32, #tpu.memory_space<vmem_shared>>
      %dma_start3A_77 = arith.constant 0 : i32
      %dma_start3A_78 = tpu.memref_slice %arg13[%add3A_16, %dma_start3A_77] : memref<10240x128xf32, #tpu.memory_space<vmem_shared>> -> memref<128x128xf32, #tpu.memory_space<vmem_shared>>
      tpu.enqueue_dma source(%arg12 : memref<128x128xf32, #tpu.memory_space<vmem>>) target(%dma_start3A_78 : memref<128x128xf32, #tpu.memory_space<vmem_shared>>) target_semaphore(%run_scoped3A : memref<!tpu.dma_semaphore, #tpu.memory_space<semaphore_mem>>)
      %dma_wait3A_79 = arith.constant 0 : i32
      %dma_wait3A_80 = tpu.memref_slice %arg13[%add3A_16, %dma_wait3A_79] : memref<10240x128xf32, #tpu.memory_space<vmem_shared>> -> memref<128x128xf32, #tpu.memory_space<vmem_shared>>
      %dma_wait3A_81 = arith.constant 0 : i32
      %dma_wait3A_82 = tpu.memref_slice %arg13[%add3A_16, %dma_wait3A_81] : memref<10240x128xf32, #tpu.memory_space<vmem_shared>> -> memref<128x128xf32, #tpu.memory_space<vmem_shared>>
      tpu.wait_dma2 semaphore(%run_scoped3A : memref<!tpu.dma_semaphore, #tpu.memory_space<semaphore_mem>>) src(%arg12 : memref<128x128xf32, #tpu.memory_space<vmem>>) dst(%dma_wait3A_82 : memref<128x128xf32, #tpu.memory_space<vmem_shared>>)
      tpu.yield
    }) : () -> ()
    %add3A_17 = arith.constant 512 : i32
    %add3A_18 = arith.addi %mul3A_8, %add3A_17 : i32
    "tpu.region"() ({
      %run_scoped3A = tpu.sem_alloc : memref<!tpu.dma_semaphore, #tpu.memory_space<semaphore_mem>>
      %dma_start3A_75 = arith.constant 0 : i32
      %dma_start3A_76 = tpu.memref_slice %arg13[%add3A_18, %dma_start3A_75] : memref<10240x128xf32, #tpu.memory_space<vmem_shared>> -> memref<128x128xf32, #tpu.memory_space<vmem_shared>>
      %dma_start3A_77 = arith.constant 0 : i32
      %dma_start3A_78 = tpu.memref_slice %arg13[%add3A_18, %dma_start3A_77] : memref<10240x128xf32, #tpu.memory_space<vmem_shared>> -> memref<128x128xf32, #tpu.memory_space<vmem_shared>>
      tpu.enqueue_dma source(%arg12 : memref<128x128xf32, #tpu.memory_space<vmem>>) target(%dma_start3A_78 : memref<128x128xf32, #tpu.memory_space<vmem_shared>>) target_semaphore(%run_scoped3A : memref<!tpu.dma_semaphore, #tpu.memory_space<semaphore_mem>>)
      %dma_wait3A_79 = arith.constant 0 : i32
      %dma_wait3A_80 = tpu.memref_slice %arg13[%add3A_18, %dma_wait3A_79] : memref<10240x128xf32, #tpu.memory_space<vmem_shared>> -> memref<128x128xf32, #tpu.memory_space<vmem_shared>>
      %dma_wait3A_81 = arith.constant 0 : i32
      %dma_wait3A_82 = tpu.memref_slice %arg13[%add3A_18, %dma_wait3A_81] : memref<10240x128xf32, #tpu.memory_space<vmem_shared>> -> memref<128x128xf32, #tpu.memory_space<vmem_shared>>
      tpu.wait_dma2 semaphore(%run_scoped3A : memref<!tpu.dma_semaphore, #tpu.memory_space<semaphore_mem>>) src(%arg12 : memref<128x128xf32, #tpu.memory_space<vmem>>) dst(%dma_wait3A_82 : memref<128x128xf32, #tpu.memory_space<vmem_shared>>)
      tpu.yield
    }) : () -> ()
    %barrier3A = arith.constant 0 : index
    tpu.barrier barrier_id(%barrier3A)
    %mul3A_19 = arith.constant 125 : i32
    %mul3A_20 = arith.muli %add3A, %mul3A_19 : i32
    %mul3A_21 = arith.constant 80 : i32
    %mul3A_22 = arith.muli %mul3A_20, %mul3A_21 : i32
    %add3A_23 = arith.constant 0 : i32
    %add3A_24 = arith.addi %mul3A_22, %add3A_23 : i32
    %dma_start3A = tpu.memref_slice %arg3[%add3A_24] : memref<320000xi32, #tpu.memory_space<hbm>> -> memref<80xi32, #tpu.memory_space<hbm>>
    %dma_start3A_25 = tpu.memref_slice %arg3[%add3A_24] : memref<320000xi32, #tpu.memory_space<hbm>> -> memref<80xi32, #tpu.memory_space<hbm>>
    tpu.enqueue_dma source(%dma_start3A_25 : memref<80xi32, #tpu.memory_space<hbm>>) target(%arg6 : memref<80xi32, #tpu.memory_space<vmem>>) target_semaphore(%arg14 : memref<!tpu.dma_semaphore, #tpu.memory_space<semaphore_mem>>)
    %dma_start3A_26 = tpu.memref_slice %arg4[%add3A_24] : memref<320000xi32, #tpu.memory_space<hbm>> -> memref<80xi32, #tpu.memory_space<hbm>>
    %dma_start3A_27 = tpu.memref_slice %arg4[%add3A_24] : memref<320000xi32, #tpu.memory_space<hbm>> -> memref<80xi32, #tpu.memory_space<hbm>>
    tpu.enqueue_dma source(%dma_start3A_27 : memref<80xi32, #tpu.memory_space<hbm>>) target(%arg7 : memref<80xi32, #tpu.memory_space<vmem>>) target_semaphore(%arg14 : memref<!tpu.dma_semaphore, #tpu.memory_space<semaphore_mem>>)
    %add3A_28 = arith.constant 0 : i32
    %add3A_29 = arith.addi %mul3A_22, %add3A_28 : i32
    %dma_wait3A = tpu.memref_slice %arg3[%add3A_29] : memref<320000xi32, #tpu.memory_space<hbm>> -> memref<80xi32, #tpu.memory_space<hbm>>
    %dma_wait3A_30 = tpu.memref_slice %arg3[%add3A_29] : memref<320000xi32, #tpu.memory_space<hbm>> -> memref<80xi32, #tpu.memory_space<hbm>>
    tpu.wait_dma2 semaphore(%arg14 : memref<!tpu.dma_semaphore, #tpu.memory_space<semaphore_mem>>) src(%dma_wait3A_30 : memref<80xi32, #tpu.memory_space<hbm>>) dst(%arg6 : memref<80xi32, #tpu.memory_space<vmem>>)
    %dma_wait3A_31 = tpu.memref_slice %arg4[%add3A_29] : memref<320000xi32, #tpu.memory_space<hbm>> -> memref<80xi32, #tpu.memory_space<hbm>>
    %dma_wait3A_32 = tpu.memref_slice %arg4[%add3A_29] : memref<320000xi32, #tpu.memory_space<hbm>> -> memref<80xi32, #tpu.memory_space<hbm>>
    tpu.wait_dma2 semaphore(%arg14 : memref<!tpu.dma_semaphore, #tpu.memory_space<semaphore_mem>>) src(%dma_wait3A_32 : memref<80xi32, #tpu.memory_space<hbm>>) dst(%arg7 : memref<80xi32, #tpu.memory_space<vmem>>)
    %dma_start3A_33 = arith.constant 0 : i32
    %dma_start3A_34 = arith.constant 0 : i32
    %dma_start3A_35 = tpu.memref_slice %arg2[%dma_start3A_33, %dma_start3A_34] : memref<10000x128xf32, #tpu.memory_space<hbm>> -> memref<10000x128xf32, #tpu.memory_space<hbm>>
    tpu.enqueue_indirect_dma source(%dma_start3A_35 : memref<10000x128xf32, #tpu.memory_space<hbm>>) target(%arg10 : memref<80x128xf32, #tpu.memory_space<vmem>>) offsets(%arg6 : memref<80xi32, #tpu.memory_space<vmem>>) semaphore(%arg16 : memref<!tpu.dma_semaphore, #tpu.memory_space<semaphore_mem>>)
    %add3A_36 = arith.constant 80 : i32
    %add3A_37 = arith.addi %mul3A_22, %add3A_36 : i32
    %dma_start3A_38 = tpu.memref_slice %arg3[%add3A_37] : memref<320000xi32, #tpu.memory_space<hbm>> -> memref<80xi32, #tpu.memory_space<hbm>>
    %dma_start3A_39 = tpu.memref_slice %arg3[%add3A_37] : memref<320000xi32, #tpu.memory_space<hbm>> -> memref<80xi32, #tpu.memory_space<hbm>>
    tpu.enqueue_dma source(%dma_start3A_39 : memref<80xi32, #tpu.memory_space<hbm>>) target(%arg8 : memref<80xi32, #tpu.memory_space<vmem>>) target_semaphore(%arg15 : memref<!tpu.dma_semaphore, #tpu.memory_space<semaphore_mem>>)
    %dma_start3A_40 = tpu.memref_slice %arg4[%add3A_37] : memref<320000xi32, #tpu.memory_space<hbm>> -> memref<80xi32, #tpu.memory_space<hbm>>
    %dma_start3A_41 = tpu.memref_slice %arg4[%add3A_37] : memref<320000xi32, #tpu.memory_space<hbm>> -> memref<80xi32, #tpu.memory_space<hbm>>
    tpu.enqueue_dma source(%dma_start3A_41 : memref<80xi32, #tpu.memory_space<hbm>>) target(%arg9 : memref<80xi32, #tpu.memory_space<vmem>>) target_semaphore(%arg15 : memref<!tpu.dma_semaphore, #tpu.memory_space<semaphore_mem>>)
    %scan3A_42 = arith.constant 0 : i32
    %scan3A_43 = arith.constant 0 : i32
    %scan3A_44 = arith.constant 62 : i32
    %scan3A_45 = arith.addi %scan3A_43, %scan3A_44 : i32
    %scan3A_46 = arith.constant 1 : i32
    scf.for %scan3A_75 = %scan3A_43 to %scan3A_45 step %scan3A_46  : i32 {
      %mul3A_76 = arith.constant 2 : i32
      %mul3A_77 = arith.muli %mul3A_76, %scan3A_75 : i32
      %add3A_78 = arith.constant 1 : i32
      %add3A_79 = arith.addi %mul3A_77, %add3A_78 : i32
      %mul3A_80 = arith.constant 80 : i32
      %mul3A_81 = arith.muli %add3A_79, %mul3A_80 : i32
      %add3A_82 = arith.addi %mul3A_22, %mul3A_81 : i32
      %dma_wait3A_83 = tpu.memref_slice %arg3[%add3A_82] : memref<320000xi32, #tpu.memory_space<hbm>> -> memref<80xi32, #tpu.memory_space<hbm>>
      %dma_wait3A_84 = tpu.memref_slice %arg3[%add3A_82] : memref<320000xi32, #tpu.memory_space<hbm>> -> memref<80xi32, #tpu.memory_space<hbm>>
      tpu.wait_dma2 semaphore(%arg15 : memref<!tpu.dma_semaphore, #tpu.memory_space<semaphore_mem>>) src(%dma_wait3A_84 : memref<80xi32, #tpu.memory_space<hbm>>) dst(%arg8 : memref<80xi32, #tpu.memory_space<vmem>>)
      %dma_wait3A_85 = tpu.memref_slice %arg4[%add3A_82] : memref<320000xi32, #tpu.memory_space<hbm>> -> memref<80xi32, #tpu.memory_space<hbm>>
      %dma_wait3A_86 = tpu.memref_slice %arg4[%add3A_82] : memref<320000xi32, #tpu.memory_space<hbm>> -> memref<80xi32, #tpu.memory_space<hbm>>
      tpu.wait_dma2 semaphore(%arg15 : memref<!tpu.dma_semaphore, #tpu.memory_space<semaphore_mem>>) src(%dma_wait3A_86 : memref<80xi32, #tpu.memory_space<hbm>>) dst(%arg9 : memref<80xi32, #tpu.memory_space<vmem>>)
      %dma_start3A_87 = arith.constant 0 : i32
      %dma_start3A_88 = arith.constant 0 : i32
      %dma_start3A_89 = tpu.memref_slice %arg2[%dma_start3A_87, %dma_start3A_88] : memref<10000x128xf32, #tpu.memory_space<hbm>> -> memref<10000x128xf32, #tpu.memory_space<hbm>>
      tpu.enqueue_indirect_dma source(%dma_start3A_89 : memref<10000x128xf32, #tpu.memory_space<hbm>>) target(%arg11 : memref<80x128xf32, #tpu.memory_space<vmem>>) offsets(%arg8 : memref<80xi32, #tpu.memory_space<vmem>>) semaphore(%arg17 : memref<!tpu.dma_semaphore, #tpu.memory_space<semaphore_mem>>)
      %dma_wait3A_90 = arith.constant 0 : i32
      %dma_wait3A_91 = arith.constant 0 : i32
      %dma_wait3A_92 = tpu.memref_slice %arg2[%dma_wait3A_90, %dma_wait3A_91] : memref<10000x128xf32, #tpu.memory_space<hbm>> -> memref<10000x128xf32, #tpu.memory_space<hbm>>
      tpu.wait_indirect_dma semaphore(%arg16 : memref<!tpu.dma_semaphore, #tpu.memory_space<semaphore_mem>>) src(%dma_wait3A_92 : memref<10000x128xf32, #tpu.memory_space<hbm>>) dst(%arg10 : memref<80x128xf32, #tpu.memory_space<vmem>>)
      %add3A_93 = arith.constant 2 : i32
      %add3A_94 = arith.addi %mul3A_77, %add3A_93 : i32
      %mul3A_95 = arith.constant 80 : i32
      %mul3A_96 = arith.muli %add3A_94, %mul3A_95 : i32
      %add3A_97 = arith.addi %mul3A_22, %mul3A_96 : i32
      %dma_start3A_98 = tpu.memref_slice %arg3[%add3A_97] : memref<320000xi32, #tpu.memory_space<hbm>> -> memref<80xi32, #tpu.memory_space<hbm>>
      %dma_start3A_99 = tpu.memref_slice %arg3[%add3A_97] : memref<320000xi32, #tpu.memory_space<hbm>> -> memref<80xi32, #tpu.memory_space<hbm>>
      tpu.enqueue_dma source(%dma_start3A_99 : memref<80xi32, #tpu.memory_space<hbm>>) target(%arg6 : memref<80xi32, #tpu.memory_space<vmem>>) target_semaphore(%arg14 : memref<!tpu.dma_semaphore, #tpu.memory_space<semaphore_mem>>)
      %dma_start3A_100 = tpu.memref_slice %arg4[%add3A_97] : memref<320000xi32, #tpu.memory_space<hbm>> -> memref<80xi32, #tpu.memory_space<hbm>>
      %dma_start3A_101 = tpu.memref_slice %arg4[%add3A_97] : memref<320000xi32, #tpu.memory_space<hbm>> -> memref<80xi32, #tpu.memory_space<hbm>>
      tpu.enqueue_dma source(%dma_start3A_101 : memref<80xi32, #tpu.memory_space<hbm>>) target(%arg7 : memref<80xi32, #tpu.memory_space<vmem>>) target_semaphore(%arg14 : memref<!tpu.dma_semaphore, #tpu.memory_space<semaphore_mem>>)
      "tpu.region"() ({
        %run_scoped3A = tpu.sem_alloc : memref<!tpu.dma_semaphore, #tpu.memory_space<semaphore_mem>>
        %dma_start3A_119 = arith.constant 0 : i32
        %dma_start3A_120 = arith.constant 0 : i32
        %dma_start3A_121 = tpu.memref_slice %arg13[%dma_start3A_119, %dma_start3A_120] : memref<10240x128xf32, #tpu.memory_space<vmem_shared>> -> memref<10240x128xf32, #tpu.memory_space<vmem_shared>>
        tpu.enqueue_indirect_dma source(%arg10 : memref<80x128xf32, #tpu.memory_space<vmem>>) target(%dma_start3A_121 : memref<10240x128xf32, #tpu.memory_space<vmem_shared>>) offsets(%arg7 : memref<80xi32, #tpu.memory_space<vmem>>) semaphore(%run_scoped3A : memref<!tpu.dma_semaphore, #tpu.memory_space<semaphore_mem>>) {add = true}
        %dma_wait3A_122 = arith.constant 0 : i32
        %dma_wait3A_123 = arith.constant 0 : i32
        %dma_wait3A_124 = tpu.memref_slice %arg13[%dma_wait3A_122, %dma_wait3A_123] : memref<10240x128xf32, #tpu.memory_space<vmem_shared>> -> memref<10240x128xf32, #tpu.memory_space<vmem_shared>>
        tpu.wait_indirect_dma semaphore(%run_scoped3A : memref<!tpu.dma_semaphore, #tpu.memory_space<semaphore_mem>>) src(%arg10 : memref<80x128xf32, #tpu.memory_space<vmem>>) dst(%dma_wait3A_124 : memref<10240x128xf32, #tpu.memory_space<vmem_shared>>)
        tpu.yield
      }) : () -> ()
      %add3A_102 = arith.constant 2 : i32
      %add3A_103 = arith.addi %mul3A_77, %add3A_102 : i32
      %mul3A_104 = arith.constant 80 : i32
      %mul3A_105 = arith.muli %add3A_103, %mul3A_104 : i32
      %add3A_106 = arith.addi %mul3A_22, %mul3A_105 : i32
      %dma_wait3A_107 = tpu.memref_slice %arg3[%add3A_106] : memref<320000xi32, #tpu.memory_space<hbm>> -> memref<80xi32, #tpu.memory_space<hbm>>
      %dma_wait3A_108 = tpu.memref_slice %arg3[%add3A_106] : memref<320000xi32, #tpu.memory_space<hbm>> -> memref<80xi32, #tpu.memory_space<hbm>>
      tpu.wait_dma2 semaphore(%arg14 : memref<!tpu.dma_semaphore, #tpu.memory_space<semaphore_mem>>) src(%dma_wait3A_108 : memref<80xi32, #tpu.memory_space<hbm>>) dst(%arg6 : memref<80xi32, #tpu.memory_space<vmem>>)
      %dma_wait3A_109 = tpu.memref_slice %arg4[%add3A_106] : memref<320000xi32, #tpu.memory_space<hbm>> -> memref<80xi32, #tpu.memory_space<hbm>>
      %dma_wait3A_110 = tpu.memref_slice %arg4[%add3A_106] : memref<320000xi32, #tpu.memory_space<hbm>> -> memref<80xi32, #tpu.memory_space<hbm>>
      tpu.wait_dma2 semaphore(%arg14 : memref<!tpu.dma_semaphore, #tpu.memory_space<semaphore_mem>>) src(%dma_wait3A_110 : memref<80xi32, #tpu.memory_space<hbm>>) dst(%arg7 : memref<80xi32, #tpu.memory_space<vmem>>)
      %dma_start3A_111 = arith.constant 0 : i32
      %dma_start3A_112 = arith.constant 0 : i32
      %dma_start3A_113 = tpu.memref_slice %arg2[%dma_start3A_111, %dma_start3A_112] : memref<10000x128xf32, #tpu.memory_space<hbm>> -> memref<10000x128xf32, #tpu.memory_space<hbm>>
      tpu.enqueue_indirect_dma source(%dma_start3A_113 : memref<10000x128xf32, #tpu.memory_space<hbm>>) target(%arg10 : memref<80x128xf32, #tpu.memory_space<vmem>>) offsets(%arg6 : memref<80xi32, #tpu.memory_space<vmem>>) semaphore(%arg16 : memref<!tpu.dma_semaphore, #tpu.memory_space<semaphore_mem>>)
      %dma_wait3A_114 = arith.constant 0 : i32
      %dma_wait3A_115 = arith.constant 0 : i32
      %dma_wait3A_116 = tpu.memref_slice %arg2[%dma_wait3A_114, %dma_wait3A_115] : memref<10000x128xf32, #tpu.memory_space<hbm>> -> memref<10000x128xf32, #tpu.memory_space<hbm>>
      tpu.wait_indirect_dma semaphore(%arg17 : memref<!tpu.dma_semaphore, #tpu.memory_space<semaphore_mem>>) src(%dma_wait3A_116 : memref<10000x128xf32, #tpu.memory_space<hbm>>) dst(%arg11 : memref<80x128xf32, #tpu.memory_space<vmem>>)
      %lt3A = arith.constant 61 : i32
      %lt3A_117 = arith.cmpi slt, %scan3A_75, %lt3A : i32
      %convert_element_type3A = arith.extui %lt3A_117 : i1 to i32
      %cond3A = arith.constant 0 : i32
      %cond3A_118 = arith.cmpi ne, %convert_element_type3A, %cond3A : i32
      scf.if %cond3A_118 {
        %add3A_119 = arith.constant 2 : i32
        %add3A_120 = arith.addi %add3A_79, %add3A_119 : i32
        %mul3A_121 = arith.constant 80 : i32
        %mul3A_122 = arith.muli %add3A_120, %mul3A_121 : i32
        %add3A_123 = arith.addi %mul3A_22, %mul3A_122 : i32
        %dma_start3A_124 = tpu.memref_slice %arg3[%add3A_123] : memref<320000xi32, #tpu.memory_space<hbm>> -> memref<80xi32, #tpu.memory_space<hbm>>
        %dma_start3A_125 = tpu.memref_slice %arg3[%add3A_123] : memref<320000xi32, #tpu.memory_space<hbm>> -> memref<80xi32, #tpu.memory_space<hbm>>
        tpu.enqueue_dma source(%dma_start3A_125 : memref<80xi32, #tpu.memory_space<hbm>>) target(%arg8 : memref<80xi32, #tpu.memory_space<vmem>>) target_semaphore(%arg15 : memref<!tpu.dma_semaphore, #tpu.memory_space<semaphore_mem>>)
        %dma_start3A_126 = tpu.memref_slice %arg4[%add3A_123] : memref<320000xi32, #tpu.memory_space<hbm>> -> memref<80xi32, #tpu.memory_space<hbm>>
        %dma_start3A_127 = tpu.memref_slice %arg4[%add3A_123] : memref<320000xi32, #tpu.memory_space<hbm>> -> memref<80xi32, #tpu.memory_space<hbm>>
        tpu.enqueue_dma source(%dma_start3A_127 : memref<80xi32, #tpu.memory_space<hbm>>) target(%arg9 : memref<80xi32, #tpu.memory_space<vmem>>) target_semaphore(%arg15 : memref<!tpu.dma_semaphore, #tpu.memory_space<semaphore_mem>>)
      } else {
      }
      "tpu.region"() ({
        %run_scoped3A = tpu.sem_alloc : memref<!tpu.dma_semaphore, #tpu.memory_space<semaphore_mem>>
        %dma_start3A_119 = arith.constant 0 : i32
        %dma_start3A_120 = arith.constant 0 : i32
        %dma_start3A_121 = tpu.memref_slice %arg13[%dma_start3A_119, %dma_start3A_120] : memref<10240x128xf32, #tpu.memory_space<vmem_shared>> -> memref<10240x128xf32, #tpu.memory_space<vmem_shared>>
        tpu.enqueue_indirect_dma source(%arg11 : memref<80x128xf32, #tpu.memory_space<vmem>>) target(%dma_start3A_121 : memref<10240x128xf32, #tpu.memory_space<vmem_shared>>) offsets(%arg9 : memref<80xi32, #tpu.memory_space<vmem>>) semaphore(%run_scoped3A : memref<!tpu.dma_semaphore, #tpu.memory_space<semaphore_mem>>) {add = true}
        %dma_wait3A_122 = arith.constant 0 : i32
        %dma_wait3A_123 = arith.constant 0 : i32
        %dma_wait3A_124 = tpu.memref_slice %arg13[%dma_wait3A_122, %dma_wait3A_123] : memref<10240x128xf32, #tpu.memory_space<vmem_shared>> -> memref<10240x128xf32, #tpu.memory_space<vmem_shared>>
        tpu.wait_indirect_dma semaphore(%run_scoped3A : memref<!tpu.dma_semaphore, #tpu.memory_space<semaphore_mem>>) src(%arg11 : memref<80x128xf32, #tpu.memory_space<vmem>>) dst(%dma_wait3A_124 : memref<10240x128xf32, #tpu.memory_space<vmem_shared>>)
        tpu.yield
      }) : () -> ()
    }
    %scan3A_47 = arith.constant 62 : i32
    %dma_wait3A_48 = arith.constant 0 : i32
    %dma_wait3A_49 = arith.constant 0 : i32
    %dma_wait3A_50 = tpu.memref_slice %arg2[%dma_wait3A_48, %dma_wait3A_49] : memref<10000x128xf32, #tpu.memory_space<hbm>> -> memref<10000x128xf32, #tpu.memory_space<hbm>>
    tpu.wait_indirect_dma semaphore(%arg16 : memref<!tpu.dma_semaphore, #tpu.memory_space<semaphore_mem>>) src(%dma_wait3A_50 : memref<10000x128xf32, #tpu.memory_space<hbm>>) dst(%arg10 : memref<80x128xf32, #tpu.memory_space<vmem>>)
    "tpu.region"() ({
      %run_scoped3A = tpu.sem_alloc : memref<!tpu.dma_semaphore, #tpu.memory_space<semaphore_mem>>
      %dma_start3A_75 = arith.constant 0 : i32
      %dma_start3A_76 = arith.constant 0 : i32
      %dma_start3A_77 = tpu.memref_slice %arg13[%dma_start3A_75, %dma_start3A_76] : memref<10240x128xf32, #tpu.memory_space<vmem_shared>> -> memref<10240x128xf32, #tpu.memory_space<vmem_shared>>
      tpu.enqueue_indirect_dma source(%arg10 : memref<80x128xf32, #tpu.memory_space<vmem>>) target(%dma_start3A_77 : memref<10240x128xf32, #tpu.memory_space<vmem_shared>>) offsets(%arg7 : memref<80xi32, #tpu.memory_space<vmem>>) semaphore(%run_scoped3A : memref<!tpu.dma_semaphore, #tpu.memory_space<semaphore_mem>>) {add = true}
      %dma_wait3A_78 = arith.constant 0 : i32
      %dma_wait3A_79 = arith.constant 0 : i32
      %dma_wait3A_80 = tpu.memref_slice %arg13[%dma_wait3A_78, %dma_wait3A_79] : memref<10240x128xf32, #tpu.memory_space<vmem_shared>> -> memref<10240x128xf32, #tpu.memory_space<vmem_shared>>
      tpu.wait_indirect_dma semaphore(%run_scoped3A : memref<!tpu.dma_semaphore, #tpu.memory_space<semaphore_mem>>) src(%arg10 : memref<80x128xf32, #tpu.memory_space<vmem>>) dst(%dma_wait3A_80 : memref<10240x128xf32, #tpu.memory_space<vmem_shared>>)
      tpu.yield
    }) : () -> ()
    %barrier3A_51 = arith.constant 0 : index
    tpu.barrier barrier_id(%barrier3A_51)
    %mul3A_52 = arith.constant 10240 : i32
    %mul3A_53 = arith.muli %arg0, %mul3A_52 : i32
    %add3A_54 = arith.addi %mul3A_53, %mul3A_8 : i32
    %add3A_55 = arith.constant 0 : i32
    %add3A_56 = arith.addi %mul3A_8, %add3A_55 : i32
    "tpu.region"() ({
      %run_scoped3A = tpu.sem_alloc : memref<!tpu.dma_semaphore, #tpu.memory_space<semaphore_mem>>
      %dma_start3A_75 = arith.constant 0 : i32
      %dma_start3A_76 = tpu.memref_slice %arg13[%add3A_56, %dma_start3A_75] : memref<10240x128xf32, #tpu.memory_space<vmem_shared>> -> memref<128x128xf32, #tpu.memory_space<vmem_shared>>
      %dma_start3A_77 = arith.constant 0 : i32
      %dma_start3A_78 = tpu.memref_slice %arg13[%add3A_56, %dma_start3A_77] : memref<10240x128xf32, #tpu.memory_space<vmem_shared>> -> memref<128x128xf32, #tpu.memory_space<vmem_shared>>
      tpu.enqueue_dma source(%dma_start3A_78 : memref<128x128xf32, #tpu.memory_space<vmem_shared>>) target(%arg12 : memref<128x128xf32, #tpu.memory_space<vmem>>) target_semaphore(%run_scoped3A : memref<!tpu.dma_semaphore, #tpu.memory_space<semaphore_mem>>)
      %dma_wait3A_79 = arith.constant 0 : i32
      %dma_wait3A_80 = tpu.memref_slice %arg13[%add3A_56, %dma_wait3A_79] : memref<10240x128xf32, #tpu.memory_space<vmem_shared>> -> memref<128x128xf32, #tpu.memory_space<vmem_shared>>
      %dma_wait3A_81 = arith.constant 0 : i32
      %dma_wait3A_82 = tpu.memref_slice %arg13[%add3A_56, %dma_wait3A_81] : memref<10240x128xf32, #tpu.memory_space<vmem_shared>> -> memref<128x128xf32, #tpu.memory_space<vmem_shared>>
      tpu.wait_dma2 semaphore(%run_scoped3A : memref<!tpu.dma_semaphore, #tpu.memory_space<semaphore_mem>>) src(%dma_wait3A_82 : memref<128x128xf32, #tpu.memory_space<vmem_shared>>) dst(%arg12 : memref<128x128xf32, #tpu.memory_space<vmem>>)
      tpu.yield
    }) : () -> ()
    %add3A_57 = arith.constant 0 : i32
    %add3A_58 = arith.addi %add3A_54, %add3A_57 : i32
    "tpu.region"() ({
      %run_scoped3A = tpu.sem_alloc : memref<!tpu.dma_semaphore, #tpu.memory_space<semaphore_mem>>
      %dma_start3A_75 = arith.constant 0 : i32
      %dma_start3A_76 = tpu.memref_slice %arg5[%add3A_58, %dma_start3A_75] : memref<20480x128xf32, #tpu.memory_space<hbm>> -> memref<128x128xf32, #tpu.memory_space<hbm>>
      %dma_start3A_77 = arith.constant 0 : i32
      %dma_start3A_78 = tpu.memref_slice %arg5[%add3A_58, %dma_start3A_77] : memref<20480x128xf32, #tpu.memory_space<hbm>> -> memref<128x128xf32, #tpu.memory_space<hbm>>
      tpu.enqueue_dma source(%arg12 : memref<128x128xf32, #tpu.memory_space<vmem>>) target(%dma_start3A_78 : memref<128x128xf32, #tpu.memory_space<hbm>>) target_semaphore(%run_scoped3A : memref<!tpu.dma_semaphore, #tpu.memory_space<semaphore_mem>>)
      %dma_wait3A_79 = arith.constant 0 : i32
      %dma_wait3A_80 = tpu.memref_slice %arg5[%add3A_58, %dma_wait3A_79] : memref<20480x128xf32, #tpu.memory_space<hbm>> -> memref<128x128xf32, #tpu.memory_space<hbm>>
      %dma_wait3A_81 = arith.constant 0 : i32
      %dma_wait3A_82 = tpu.memref_slice %arg5[%add3A_58, %dma_wait3A_81] : memref<20480x128xf32, #tpu.memory_space<hbm>> -> memref<128x128xf32, #tpu.memory_space<hbm>>
      tpu.wait_dma2 semaphore(%run_scoped3A : memref<!tpu.dma_semaphore, #tpu.memory_space<semaphore_mem>>) src(%arg12 : memref<128x128xf32, #tpu.memory_space<vmem>>) dst(%dma_wait3A_82 : memref<128x128xf32, #tpu.memory_space<hbm>>)
      tpu.yield
    }) : () -> ()
    %add3A_59 = arith.constant 128 : i32
    %add3A_60 = arith.addi %mul3A_8, %add3A_59 : i32
    "tpu.region"() ({
      %run_scoped3A = tpu.sem_alloc : memref<!tpu.dma_semaphore, #tpu.memory_space<semaphore_mem>>
      %dma_start3A_75 = arith.constant 0 : i32
      %dma_start3A_76 = tpu.memref_slice %arg13[%add3A_60, %dma_start3A_75] : memref<10240x128xf32, #tpu.memory_space<vmem_shared>> -> memref<128x128xf32, #tpu.memory_space<vmem_shared>>
      %dma_start3A_77 = arith.constant 0 : i32
      %dma_start3A_78 = tpu.memref_slice %arg13[%add3A_60, %dma_start3A_77] : memref<10240x128xf32, #tpu.memory_space<vmem_shared>> -> memref<128x128xf32, #tpu.memory_space<vmem_shared>>
      tpu.enqueue_dma source(%dma_start3A_78 : memref<128x128xf32, #tpu.memory_space<vmem_shared>>) target(%arg12 : memref<128x128xf32, #tpu.memory_space<vmem>>) target_semaphore(%run_scoped3A : memref<!tpu.dma_semaphore, #tpu.memory_space<semaphore_mem>>)
      %dma_wait3A_79 = arith.constant 0 : i32
      %dma_wait3A_80 = tpu.memref_slice %arg13[%add3A_60, %dma_wait3A_79] : memref<10240x128xf32, #tpu.memory_space<vmem_shared>> -> memref<128x128xf32, #tpu.memory_space<vmem_shared>>
      %dma_wait3A_81 = arith.constant 0 : i32
      %dma_wait3A_82 = tpu.memref_slice %arg13[%add3A_60, %dma_wait3A_81] : memref<10240x128xf32, #tpu.memory_space<vmem_shared>> -> memref<128x128xf32, #tpu.memory_space<vmem_shared>>
      tpu.wait_dma2 semaphore(%run_scoped3A : memref<!tpu.dma_semaphore, #tpu.memory_space<semaphore_mem>>) src(%dma_wait3A_82 : memref<128x128xf32, #tpu.memory_space<vmem_shared>>) dst(%arg12 : memref<128x128xf32, #tpu.memory_space<vmem>>)
      tpu.yield
    }) : () -> ()
    %add3A_61 = arith.constant 128 : i32
    %add3A_62 = arith.addi %add3A_54, %add3A_61 : i32
    "tpu.region"() ({
      %run_scoped3A = tpu.sem_alloc : memref<!tpu.dma_semaphore, #tpu.memory_space<semaphore_mem>>
      %dma_start3A_75 = arith.constant 0 : i32
      %dma_start3A_76 = tpu.memref_slice %arg5[%add3A_62, %dma_start3A_75] : memref<20480x128xf32, #tpu.memory_space<hbm>> -> memref<128x128xf32, #tpu.memory_space<hbm>>
      %dma_start3A_77 = arith.constant 0 : i32
      %dma_start3A_78 = tpu.memref_slice %arg5[%add3A_62, %dma_start3A_77] : memref<20480x128xf32, #tpu.memory_space<hbm>> -> memref<128x128xf32, #tpu.memory_space<hbm>>
      tpu.enqueue_dma source(%arg12 : memref<128x128xf32, #tpu.memory_space<vmem>>) target(%dma_start3A_78 : memref<128x128xf32, #tpu.memory_space<hbm>>) target_semaphore(%run_scoped3A : memref<!tpu.dma_semaphore, #tpu.memory_space<semaphore_mem>>)
      %dma_wait3A_79 = arith.constant 0 : i32
      %dma_wait3A_80 = tpu.memref_slice %arg5[%add3A_62, %dma_wait3A_79] : memref<20480x128xf32, #tpu.memory_space<hbm>> -> memref<128x128xf32, #tpu.memory_space<hbm>>
      %dma_wait3A_81 = arith.constant 0 : i32
      %dma_wait3A_82 = tpu.memref_slice %arg5[%add3A_62, %dma_wait3A_81] : memref<20480x128xf32, #tpu.memory_space<hbm>> -> memref<128x128xf32, #tpu.memory_space<hbm>>
      tpu.wait_dma2 semaphore(%run_scoped3A : memref<!tpu.dma_semaphore, #tpu.memory_space<semaphore_mem>>) src(%arg12 : memref<128x128xf32, #tpu.memory_space<vmem>>) dst(%dma_wait3A_82 : memref<128x128xf32, #tpu.memory_space<hbm>>)
      tpu.yield
    }) : () -> ()
    %add3A_63 = arith.constant 256 : i32
    %add3A_64 = arith.addi %mul3A_8, %add3A_63 : i32
    "tpu.region"() ({
      %run_scoped3A = tpu.sem_alloc : memref<!tpu.dma_semaphore, #tpu.memory_space<semaphore_mem>>
      %dma_start3A_75 = arith.constant 0 : i32
      %dma_start3A_76 = tpu.memref_slice %arg13[%add3A_64, %dma_start3A_75] : memref<10240x128xf32, #tpu.memory_space<vmem_shared>> -> memref<128x128xf32, #tpu.memory_space<vmem_shared>>
      %dma_start3A_77 = arith.constant 0 : i32
      %dma_start3A_78 = tpu.memref_slice %arg13[%add3A_64, %dma_start3A_77] : memref<10240x128xf32, #tpu.memory_space<vmem_shared>> -> memref<128x128xf32, #tpu.memory_space<vmem_shared>>
      tpu.enqueue_dma source(%dma_start3A_78 : memref<128x128xf32, #tpu.memory_space<vmem_shared>>) target(%arg12 : memref<128x128xf32, #tpu.memory_space<vmem>>) target_semaphore(%run_scoped3A : memref<!tpu.dma_semaphore, #tpu.memory_space<semaphore_mem>>)
      %dma_wait3A_79 = arith.constant 0 : i32
      %dma_wait3A_80 = tpu.memref_slice %arg13[%add3A_64, %dma_wait3A_79] : memref<10240x128xf32, #tpu.memory_space<vmem_shared>> -> memref<128x128xf32, #tpu.memory_space<vmem_shared>>
      %dma_wait3A_81 = arith.constant 0 : i32
      %dma_wait3A_82 = tpu.memref_slice %arg13[%add3A_64, %dma_wait3A_81] : memref<10240x128xf32, #tpu.memory_space<vmem_shared>> -> memref<128x128xf32, #tpu.memory_space<vmem_shared>>
      tpu.wait_dma2 semaphore(%run_scoped3A : memref<!tpu.dma_semaphore, #tpu.memory_space<semaphore_mem>>) src(%dma_wait3A_82 : memref<128x128xf32, #tpu.memory_space<vmem_shared>>) dst(%arg12 : memref<128x128xf32, #tpu.memory_space<vmem>>)
      tpu.yield
    }) : () -> ()
    %add3A_65 = arith.constant 256 : i32
    %add3A_66 = arith.addi %add3A_54, %add3A_65 : i32
    "tpu.region"() ({
      %run_scoped3A = tpu.sem_alloc : memref<!tpu.dma_semaphore, #tpu.memory_space<semaphore_mem>>
      %dma_start3A_75 = arith.constant 0 : i32
      %dma_start3A_76 = tpu.memref_slice %arg5[%add3A_66, %dma_start3A_75] : memref<20480x128xf32, #tpu.memory_space<hbm>> -> memref<128x128xf32, #tpu.memory_space<hbm>>
      %dma_start3A_77 = arith.constant 0 : i32
      %dma_start3A_78 = tpu.memref_slice %arg5[%add3A_66, %dma_start3A_77] : memref<20480x128xf32, #tpu.memory_space<hbm>> -> memref<128x128xf32, #tpu.memory_space<hbm>>
      tpu.enqueue_dma source(%arg12 : memref<128x128xf32, #tpu.memory_space<vmem>>) target(%dma_start3A_78 : memref<128x128xf32, #tpu.memory_space<hbm>>) target_semaphore(%run_scoped3A : memref<!tpu.dma_semaphore, #tpu.memory_space<semaphore_mem>>)
      %dma_wait3A_79 = arith.constant 0 : i32
      %dma_wait3A_80 = tpu.memref_slice %arg5[%add3A_66, %dma_wait3A_79] : memref<20480x128xf32, #tpu.memory_space<hbm>> -> memref<128x128xf32, #tpu.memory_space<hbm>>
      %dma_wait3A_81 = arith.constant 0 : i32
      %dma_wait3A_82 = tpu.memref_slice %arg5[%add3A_66, %dma_wait3A_81] : memref<20480x128xf32, #tpu.memory_space<hbm>> -> memref<128x128xf32, #tpu.memory_space<hbm>>
      tpu.wait_dma2 semaphore(%run_scoped3A : memref<!tpu.dma_semaphore, #tpu.memory_space<semaphore_mem>>) src(%arg12 : memref<128x128xf32, #tpu.memory_space<vmem>>) dst(%dma_wait3A_82 : memref<128x128xf32, #tpu.memory_space<hbm>>)
      tpu.yield
    }) : () -> ()
    %add3A_67 = arith.constant 384 : i32
    %add3A_68 = arith.addi %mul3A_8, %add3A_67 : i32
    "tpu.region"() ({
      %run_scoped3A = tpu.sem_alloc : memref<!tpu.dma_semaphore, #tpu.memory_space<semaphore_mem>>
      %dma_start3A_75 = arith.constant 0 : i32
      %dma_start3A_76 = tpu.memref_slice %arg13[%add3A_68, %dma_start3A_75] : memref<10240x128xf32, #tpu.memory_space<vmem_shared>> -> memref<128x128xf32, #tpu.memory_space<vmem_shared>>
      %dma_start3A_77 = arith.constant 0 : i32
      %dma_start3A_78 = tpu.memref_slice %arg13[%add3A_68, %dma_start3A_77] : memref<10240x128xf32, #tpu.memory_space<vmem_shared>> -> memref<128x128xf32, #tpu.memory_space<vmem_shared>>
      tpu.enqueue_dma source(%dma_start3A_78 : memref<128x128xf32, #tpu.memory_space<vmem_shared>>) target(%arg12 : memref<128x128xf32, #tpu.memory_space<vmem>>) target_semaphore(%run_scoped3A : memref<!tpu.dma_semaphore, #tpu.memory_space<semaphore_mem>>)
      %dma_wait3A_79 = arith.constant 0 : i32
      %dma_wait3A_80 = tpu.memref_slice %arg13[%add3A_68, %dma_wait3A_79] : memref<10240x128xf32, #tpu.memory_space<vmem_shared>> -> memref<128x128xf32, #tpu.memory_space<vmem_shared>>
      %dma_wait3A_81 = arith.constant 0 : i32
      %dma_wait3A_82 = tpu.memref_slice %arg13[%add3A_68, %dma_wait3A_81] : memref<10240x128xf32, #tpu.memory_space<vmem_shared>> -> memref<128x128xf32, #tpu.memory_space<vmem_shared>>
      tpu.wait_dma2 semaphore(%run_scoped3A : memref<!tpu.dma_semaphore, #tpu.memory_space<semaphore_mem>>) src(%dma_wait3A_82 : memref<128x128xf32, #tpu.memory_space<vmem_shared>>) dst(%arg12 : memref<128x128xf32, #tpu.memory_space<vmem>>)
      tpu.yield
    }) : () -> ()
    %add3A_69 = arith.constant 384 : i32
    %add3A_70 = arith.addi %add3A_54, %add3A_69 : i32
    "tpu.region"() ({
      %run_scoped3A = tpu.sem_alloc : memref<!tpu.dma_semaphore, #tpu.memory_space<semaphore_mem>>
      %dma_start3A_75 = arith.constant 0 : i32
      %dma_start3A_76 = tpu.memref_slice %arg5[%add3A_70, %dma_start3A_75] : memref<20480x128xf32, #tpu.memory_space<hbm>> -> memref<128x128xf32, #tpu.memory_space<hbm>>
      %dma_start3A_77 = arith.constant 0 : i32
      %dma_start3A_78 = tpu.memref_slice %arg5[%add3A_70, %dma_start3A_77] : memref<20480x128xf32, #tpu.memory_space<hbm>> -> memref<128x128xf32, #tpu.memory_space<hbm>>
      tpu.enqueue_dma source(%arg12 : memref<128x128xf32, #tpu.memory_space<vmem>>) target(%dma_start3A_78 : memref<128x128xf32, #tpu.memory_space<hbm>>) target_semaphore(%run_scoped3A : memref<!tpu.dma_semaphore, #tpu.memory_space<semaphore_mem>>)
      %dma_wait3A_79 = arith.constant 0 : i32
      %dma_wait3A_80 = tpu.memref_slice %arg5[%add3A_70, %dma_wait3A_79] : memref<20480x128xf32, #tpu.memory_space<hbm>> -> memref<128x128xf32, #tpu.memory_space<hbm>>
      %dma_wait3A_81 = arith.constant 0 : i32
      %dma_wait3A_82 = tpu.memref_slice %arg5[%add3A_70, %dma_wait3A_81] : memref<20480x128xf32, #tpu.memory_space<hbm>> -> memref<128x128xf32, #tpu.memory_space<hbm>>
      tpu.wait_dma2 semaphore(%run_scoped3A : memref<!tpu.dma_semaphore, #tpu.memory_space<semaphore_mem>>) src(%arg12 : memref<128x128xf32, #tpu.memory_space<vmem>>) dst(%dma_wait3A_82 : memref<128x128xf32, #tpu.memory_space<hbm>>)
      tpu.yield
    }) : () -> ()
    %add3A_71 = arith.constant 512 : i32
    %add3A_72 = arith.addi %mul3A_8, %add3A_71 : i32
    "tpu.region"() ({
      %run_scoped3A = tpu.sem_alloc : memref<!tpu.dma_semaphore, #tpu.memory_space<semaphore_mem>>
      %dma_start3A_75 = arith.constant 0 : i32
      %dma_start3A_76 = tpu.memref_slice %arg13[%add3A_72, %dma_start3A_75] : memref<10240x128xf32, #tpu.memory_space<vmem_shared>> -> memref<128x128xf32, #tpu.memory_space<vmem_shared>>
      %dma_start3A_77 = arith.constant 0 : i32
      %dma_start3A_78 = tpu.memref_slice %arg13[%add3A_72, %dma_start3A_77] : memref<10240x128xf32, #tpu.memory_space<vmem_shared>> -> memref<128x128xf32, #tpu.memory_space<vmem_shared>>
      tpu.enqueue_dma source(%dma_start3A_78 : memref<128x128xf32, #tpu.memory_space<vmem_shared>>) target(%arg12 : memref<128x128xf32, #tpu.memory_space<vmem>>) target_semaphore(%run_scoped3A : memref<!tpu.dma_semaphore, #tpu.memory_space<semaphore_mem>>)
      %dma_wait3A_79 = arith.constant 0 : i32
      %dma_wait3A_80 = tpu.memref_slice %arg13[%add3A_72, %dma_wait3A_79] : memref<10240x128xf32, #tpu.memory_space<vmem_shared>> -> memref<128x128xf32, #tpu.memory_space<vmem_shared>>
      %dma_wait3A_81 = arith.constant 0 : i32
      %dma_wait3A_82 = tpu.memref_slice %arg13[%add3A_72, %dma_wait3A_81] : memref<10240x128xf32, #tpu.memory_space<vmem_shared>> -> memref<128x128xf32, #tpu.memory_space<vmem_shared>>
      tpu.wait_dma2 semaphore(%run_scoped3A : memref<!tpu.dma_semaphore, #tpu.memory_space<semaphore_mem>>) src(%dma_wait3A_82 : memref<128x128xf32, #tpu.memory_space<vmem_shared>>) dst(%arg12 : memref<128x128xf32, #tpu.memory_space<vmem>>)
      tpu.yield
    }) : () -> ()
    %add3A_73 = arith.constant 512 : i32
    %add3A_74 = arith.addi %add3A_54, %add3A_73 : i32
    "tpu.region"() ({
      %run_scoped3A = tpu.sem_alloc : memref<!tpu.dma_semaphore, #tpu.memory_space<semaphore_mem>>
      %dma_start3A_75 = arith.constant 0 : i32
      %dma_start3A_76 = tpu.memref_slice %arg5[%add3A_74, %dma_start3A_75] : memref<20480x128xf32, #tpu.memory_space<hbm>> -> memref<128x128xf32, #tpu.memory_space<hbm>>
      %dma_start3A_77 = arith.constant 0 : i32
      %dma_start3A_78 = tpu.memref_slice %arg5[%add3A_74, %dma_start3A_77] : memref<20480x128xf32, #tpu.memory_space<hbm>> -> memref<128x128xf32, #tpu.memory_space<hbm>>
      tpu.enqueue_dma source(%arg12 : memref<128x128xf32, #tpu.memory_space<vmem>>) target(%dma_start3A_78 : memref<128x128xf32, #tpu.memory_space<hbm>>) target_semaphore(%run_scoped3A : memref<!tpu.dma_semaphore, #tpu.memory_space<semaphore_mem>>)
      %dma_wait3A_79 = arith.constant 0 : i32
      %dma_wait3A_80 = tpu.memref_slice %arg5[%add3A_74, %dma_wait3A_79] : memref<20480x128xf32, #tpu.memory_space<hbm>> -> memref<128x128xf32, #tpu.memory_space<hbm>>
      %dma_wait3A_81 = arith.constant 0 : i32
      %dma_wait3A_82 = tpu.memref_slice %arg5[%add3A_74, %dma_wait3A_81] : memref<20480x128xf32, #tpu.memory_space<hbm>> -> memref<128x128xf32, #tpu.memory_space<hbm>>
      tpu.wait_dma2 semaphore(%run_scoped3A : memref<!tpu.dma_semaphore, #tpu.memory_space<semaphore_mem>>) src(%arg12 : memref<128x128xf32, #tpu.memory_space<vmem>>) dst(%dma_wait3A_82 : memref<128x128xf32, #tpu.memory_space<hbm>>)
      tpu.yield
    }) : () -> ()
    return
  }
}

#map = affine_map<(d0, d1) -> (0, 0)>
#map1 = affine_map<(d0, d1) -> (0)>
module attributes {stable_mosaic.version = 14 : i64} {
  func.func @agg_kernel(%arg0: i32, %arg1: i32, %arg2: memref<10000x128xf32, #tpu.memory_space<hbm>>, %arg3: memref<320000xi32, #tpu.memory_space<hbm>>, %arg4: memref<320000xi32, #tpu.memory_space<hbm>>, %arg5: memref<20480x128xf32, #tpu.memory_space<hbm>>, %arg6: memref<80xi32, #tpu.memory_space<vmem>>, %arg7: memref<80xi32, #tpu.memory_space<vmem>>, %arg8: memref<80xi32, #tpu.memory_space<vmem>>, %arg9: memref<80xi32, #tpu.memory_space<vmem>>, %arg10: memref<80x128xf32, #tpu.memory_space<vmem>>, %arg11: memref<80x128xf32, #tpu.memory_space<vmem>>, %arg12: memref<128x128xf32, #tpu.memory_space<vmem>>, %arg13: memref<10240x128xf32, #tpu.memory_space<vmem_shared>>, %arg14: memref<!tpu.dma_semaphore, #tpu.memory_space<semaphore_mem>>, %arg15: memref<!tpu.dma_semaphore, #tpu.memory_space<semaphore_mem>>, %arg16: memref<!tpu.dma_semaphore, #tpu.memory_space<semaphore_mem>>, %arg17: memref<!tpu.dma_semaphore, #tpu.memory_space<semaphore_mem>>) attributes {dimension_semantics = [#tpu.dimension_semantics<core_parallel>, #tpu.dimension_semantics<subcore_parallel>], iteration_bounds = array<i64: 2, 16>, scalar_prefetch = 0 : i64, scratch_operands = 12 : i64, tpu.core_type = #tpu.core_type<sc_vector_subcore>, window_params = [{transform_indices = #map}, {transform_indices = #map1}, {transform_indices = #map1}, {transform_indices = #map}]} {
    %mul3A = arith.constant 2 : i32
    %mul3A_0 = arith.muli %arg1, %mul3A : i32
    %add3A = arith.addi %mul3A_0, %arg0 : i32
    %broadcast_in_dim3A = arith.constant 0.000000e+00 : f32
    %broadcast_in_dim3A_1 = vector.broadcast %broadcast_in_dim3A : f32 to vector<16xf32>
    %scan3A = arith.constant 0 : i32
    %scan3A_2 = arith.constant 0 : i32
    %scan3A_3 = arith.constant 128 : i32
    %scan3A_4 = arith.addi %scan3A_2, %scan3A_3 : i32
    %scan3A_5 = arith.constant 1 : i32
    scf.for %scan3A_75 = %scan3A_2 to %scan3A_4 step %scan3A_5  : i32 {
      %swap3A = arith.index_cast %scan3A_75 : i32 to index
      %swap3A_76 = arith.constant 0 : index
      %swap3A_77 = tpu.vector_load %arg12[%swap3A, %swap3A_76] {strides = array<i32>} : memref<128x128xf32, #tpu.memory_space<vmem>>, vector<1x16xf32>,
      %swap3A_78 = vector.shape_cast %swap3A_77 : vector<1x16xf32> to vector<16xf32>
      %swap3A_79 = vector.shape_cast %broadcast_in_dim3A_1 : vector<16xf32> to vector<1x16xf32>
      tpu.vector_store %arg12[%swap3A, %swap3A_76], %swap3A_79 {strides = array<i32>} : memref<128x128xf32, #tpu.memory_space<vmem>>, vector<1x16xf32>,
      %swap3A_80 = arith.index_cast %scan3A_75 : i32 to index
      %swap3A_81 = arith.constant 16 : index
      %swap3A_82 = tpu.vector_load %arg12[%swap3A_80, %swap3A_81] {strides = array<i32>} : memref<128x128xf32, #tpu.memory_space<vmem>>, vector<1x16xf32>,
      %swap3A_83 = vector.shape_cast %swap3A_82 : vector<1x16xf32> to vector<16xf32>
      %swap3A_84 = vector.shape_cast %broadcast_in_dim3A_1 : vector<16xf32> to vector<1x16xf32>
      tpu.vector_store %arg12[%swap3A_80, %swap3A_81], %swap3A_84 {strides = array<i32>} : memref<128x128xf32, #tpu.memory_space<vmem>>, vector<1x16xf32>,
      %swap3A_85 = arith.index_cast %scan3A_75 : i32 to index
      %swap3A_86 = arith.constant 32 : index
      %swap3A_87 = tpu.vector_load %arg12[%swap3A_85, %swap3A_86] {strides = array<i32>} : memref<128x128xf32, #tpu.memory_space<vmem>>, vector<1x16xf32>,
      %swap3A_88 = vector.shape_cast %swap3A_87 : vector<1x16xf32> to vector<16xf32>
      %swap3A_89 = vector.shape_cast %broadcast_in_dim3A_1 : vector<16xf32> to vector<1x16xf32>
      tpu.vector_store %arg12[%swap3A_85, %swap3A_86], %swap3A_89 {strides = array<i32>} : memref<128x128xf32, #tpu.memory_space<vmem>>, vector<1x16xf32>,
      %swap3A_90 = arith.index_cast %scan3A_75 : i32 to index
      %swap3A_91 = arith.constant 48 : index
      %swap3A_92 = tpu.vector_load %arg12[%swap3A_90, %swap3A_91] {strides = array<i32>} : memref<128x128xf32, #tpu.memory_space<vmem>>, vector<1x16xf32>,
      %swap3A_93 = vector.shape_cast %swap3A_92 : vector<1x16xf32> to vector<16xf32>
      %swap3A_94 = vector.shape_cast %broadcast_in_dim3A_1 : vector<16xf32> to vector<1x16xf32>
      tpu.vector_store %arg12[%swap3A_90, %swap3A_91], %swap3A_94 {strides = array<i32>} : memref<128x128xf32, #tpu.memory_space<vmem>>, vector<1x16xf32>,
      %swap3A_95 = arith.index_cast %scan3A_75 : i32 to index
      %swap3A_96 = arith.constant 64 : index
      %swap3A_97 = tpu.vector_load %arg12[%swap3A_95, %swap3A_96] {strides = array<i32>} : memref<128x128xf32, #tpu.memory_space<vmem>>, vector<1x16xf32>,
      %swap3A_98 = vector.shape_cast %swap3A_97 : vector<1x16xf32> to vector<16xf32>
      %swap3A_99 = vector.shape_cast %broadcast_in_dim3A_1 : vector<16xf32> to vector<1x16xf32>
      tpu.vector_store %arg12[%swap3A_95, %swap3A_96], %swap3A_99 {strides = array<i32>} : memref<128x128xf32, #tpu.memory_space<vmem>>, vector<1x16xf32>,
      %swap3A_100 = arith.index_cast %scan3A_75 : i32 to index
      %swap3A_101 = arith.constant 80 : index
      %swap3A_102 = tpu.vector_load %arg12[%swap3A_100, %swap3A_101] {strides = array<i32>} : memref<128x128xf32, #tpu.memory_space<vmem>>, vector<1x16xf32>,
      %swap3A_103 = vector.shape_cast %swap3A_102 : vector<1x16xf32> to vector<16xf32>
      %swap3A_104 = vector.shape_cast %broadcast_in_dim3A_1 : vector<16xf32> to vector<1x16xf32>
      tpu.vector_store %arg12[%swap3A_100, %swap3A_101], %swap3A_104 {strides = array<i32>} : memref<128x128xf32, #tpu.memory_space<vmem>>, vector<1x16xf32>,
      %swap3A_105 = arith.index_cast %scan3A_75 : i32 to index
      %swap3A_106 = arith.constant 96 : index
      %swap3A_107 = tpu.vector_load %arg12[%swap3A_105, %swap3A_106] {strides = array<i32>} : memref<128x128xf32, #tpu.memory_space<vmem>>, vector<1x16xf32>,
      %swap3A_108 = vector.shape_cast %swap3A_107 : vector<1x16xf32> to vector<16xf32>
      %swap3A_109 = vector.shape_cast %broadcast_in_dim3A_1 : vector<16xf32> to vector<1x16xf32>
      tpu.vector_store %arg12[%swap3A_105, %swap3A_106], %swap3A_109 {strides = array<i32>} : memref<128x128xf32, #tpu.memory_space<vmem>>, vector<1x16xf32>,
      %swap3A_110 = arith.index_cast %scan3A_75 : i32 to index
      %swap3A_111 = arith.constant 112 : index
      %swap3A_112 = tpu.vector_load %arg12[%swap3A_110, %swap3A_111] {strides = array<i32>} : memref<128x128xf32, #tpu.memory_space<vmem>>, vector<1x16xf32>,
      %swap3A_113 = vector.shape_cast %swap3A_112 : vector<1x16xf32> to vector<16xf32>
      %swap3A_114 = vector.shape_cast %broadcast_in_dim3A_1 : vector<16xf32> to vector<1x16xf32>
      tpu.vector_store %arg12[%swap3A_110, %swap3A_111], %swap3A_114 {strides = array<i32>} : memref<128x128xf32, #tpu.memory_space<vmem>>, vector<1x16xf32>,
    }
    %scan3A_6 = arith.constant 128 : i32
    %mul3A_7 = arith.constant 640 : i32
    %mul3A_8 = arith.muli %arg1, %mul3A_7 : i32
    %add3A_9 = arith.constant 0 : i32
    %add3A_10 = arith.addi %mul3A_8, %add3A_9 : i32
    "tpu.region"() ({
      %run_scoped3A = tpu.sem_alloc : memref<!tpu.dma_semaphore, #tpu.memory_space<semaphore_mem>>
      %dma_start3A_75 = arith.constant 0 : i32
      %dma_start3A_76 = tpu.memref_slice %arg13[%add3A_10, %dma_start3A_75] : memref<10240x128xf32, #tpu.memory_space<vmem_shared>> -> memref<128x128xf32, #tpu.memory_space<vmem_shared>>
      %dma_start3A_77 = arith.constant 0 : i32
      %dma_start3A_78 = tpu.memref_slice %arg13[%add3A_10, %dma_start3A_77] : memref<10240x128xf32, #tpu.memory_space<vmem_shared>> -> memref<128x128xf32, #tpu.memory_space<vmem_shared>>
      tpu.enqueue_dma source(%arg12 : memref<128x128xf32, #tpu.memory_space<vmem>>) target(%dma_start3A_78 : memref<128x128xf32, #tpu.memory_space<vmem_shared>>) target_semaphore(%run_scoped3A : memref<!tpu.dma_semaphore, #tpu.memory_space<semaphore_mem>>)
      %dma_wait3A_79 = arith.constant 0 : i32
      %dma_wait3A_80 = tpu.memref_slice %arg13[%add3A_10, %dma_wait3A_79] : memref<10240x128xf32, #tpu.memory_space<vmem_shared>> -> memref<128x128xf32, #tpu.memory_space<vmem_shared>>
      %dma_wait3A_81 = arith.constant 0 : i32
      %dma_wait3A_82 = tpu.memref_slice %arg13[%add3A_10, %dma_wait3A_81] : memref<10240x128xf32, #tpu.memory_space<vmem_shared>> -> memref<128x128xf32, #tpu.memory_space<vmem_shared>>
      tpu.wait_dma2 semaphore(%run_scoped3A : memref<!tpu.dma_semaphore, #tpu.memory_space<semaphore_mem>>) src(%arg12 : memref<128x128xf32, #tpu.memory_space<vmem>>) dst(%dma_wait3A_82 : memref<128x128xf32, #tpu.memory_space<vmem_shared>>)
      tpu.yield
    }) : () -> ()
    %add3A_11 = arith.constant 128 : i32
    %add3A_12 = arith.addi %mul3A_8, %add3A_11 : i32
    "tpu.region"() ({
      %run_scoped3A = tpu.sem_alloc : memref<!tpu.dma_semaphore, #tpu.memory_space<semaphore_mem>>
      %dma_start3A_75 = arith.constant 0 : i32
      %dma_start3A_76 = tpu.memref_slice %arg13[%add3A_12, %dma_start3A_75] : memref<10240x128xf32, #tpu.memory_space<vmem_shared>> -> memref<128x128xf32, #tpu.memory_space<vmem_shared>>
      %dma_start3A_77 = arith.constant 0 : i32
      %dma_start3A_78 = tpu.memref_slice %arg13[%add3A_12, %dma_start3A_77] : memref<10240x128xf32, #tpu.memory_space<vmem_shared>> -> memref<128x128xf32, #tpu.memory_space<vmem_shared>>
      tpu.enqueue_dma source(%arg12 : memref<128x128xf32, #tpu.memory_space<vmem>>) target(%dma_start3A_78 : memref<128x128xf32, #tpu.memory_space<vmem_shared>>) target_semaphore(%run_scoped3A : memref<!tpu.dma_semaphore, #tpu.memory_space<semaphore_mem>>)
      %dma_wait3A_79 = arith.constant 0 : i32
      %dma_wait3A_80 = tpu.memref_slice %arg13[%add3A_12, %dma_wait3A_79] : memref<10240x128xf32, #tpu.memory_space<vmem_shared>> -> memref<128x128xf32, #tpu.memory_space<vmem_shared>>
      %dma_wait3A_81 = arith.constant 0 : i32
      %dma_wait3A_82 = tpu.memref_slice %arg13[%add3A_12, %dma_wait3A_81] : memref<10240x128xf32, #tpu.memory_space<vmem_shared>> -> memref<128x128xf32, #tpu.memory_space<vmem_shared>>
      tpu.wait_dma2 semaphore(%run_scoped3A : memref<!tpu.dma_semaphore, #tpu.memory_space<semaphore_mem>>) src(%arg12 : memref<128x128xf32, #tpu.memory_space<vmem>>) dst(%dma_wait3A_82 : memref<128x128xf32, #tpu.memory_space<vmem_shared>>)
      tpu.yield
    }) : () -> ()
    %add3A_13 = arith.constant 256 : i32
    %add3A_14 = arith.addi %mul3A_8, %add3A_13 : i32
    "tpu.region"() ({
      %run_scoped3A = tpu.sem_alloc : memref<!tpu.dma_semaphore, #tpu.memory_space<semaphore_mem>>
      %dma_start3A_75 = arith.constant 0 : i32
      %dma_start3A_76 = tpu.memref_slice %arg13[%add3A_14, %dma_start3A_75] : memref<10240x128xf32, #tpu.memory_space<vmem_shared>> -> memref<128x128xf32, #tpu.memory_space<vmem_shared>>
      %dma_start3A_77 = arith.constant 0 : i32
      %dma_start3A_78 = tpu.memref_slice %arg13[%add3A_14, %dma_start3A_77] : memref<10240x128xf32, #tpu.memory_space<vmem_shared>> -> memref<128x128xf32, #tpu.memory_space<vmem_shared>>
      tpu.enqueue_dma source(%arg12 : memref<128x128xf32, #tpu.memory_space<vmem>>) target(%dma_start3A_78 : memref<128x128xf32, #tpu.memory_space<vmem_shared>>) target_semaphore(%run_scoped3A : memref<!tpu.dma_semaphore, #tpu.memory_space<semaphore_mem>>)
      %dma_wait3A_79 = arith.constant 0 : i32
      %dma_wait3A_80 = tpu.memref_slice %arg13[%add3A_14, %dma_wait3A_79] : memref<10240x128xf32, #tpu.memory_space<vmem_shared>> -> memref<128x128xf32, #tpu.memory_space<vmem_shared>>
      %dma_wait3A_81 = arith.constant 0 : i32
      %dma_wait3A_82 = tpu.memref_slice %arg13[%add3A_14, %dma_wait3A_81] : memref<10240x128xf32, #tpu.memory_space<vmem_shared>> -> memref<128x128xf32, #tpu.memory_space<vmem_shared>>
      tpu.wait_dma2 semaphore(%run_scoped3A : memref<!tpu.dma_semaphore, #tpu.memory_space<semaphore_mem>>) src(%arg12 : memref<128x128xf32, #tpu.memory_space<vmem>>) dst(%dma_wait3A_82 : memref<128x128xf32, #tpu.memory_space<vmem_shared>>)
      tpu.yield
    }) : () -> ()
    %add3A_15 = arith.constant 384 : i32
    %add3A_16 = arith.addi %mul3A_8, %add3A_15 : i32
    "tpu.region"() ({
      %run_scoped3A = tpu.sem_alloc : memref<!tpu.dma_semaphore, #tpu.memory_space<semaphore_mem>>
      %dma_start3A_75 = arith.constant 0 : i32
      %dma_start3A_76 = tpu.memref_slice %arg13[%add3A_16, %dma_start3A_75] : memref<10240x128xf32, #tpu.memory_space<vmem_shared>> -> memref<128x128xf32, #tpu.memory_space<vmem_shared>>
      %dma_start3A_77 = arith.constant 0 : i32
      %dma_start3A_78 = tpu.memref_slice %arg13[%add3A_16, %dma_start3A_77] : memref<10240x128xf32, #tpu.memory_space<vmem_shared>> -> memref<128x128xf32, #tpu.memory_space<vmem_shared>>
      tpu.enqueue_dma source(%arg12 : memref<128x128xf32, #tpu.memory_space<vmem>>) target(%dma_start3A_78 : memref<128x128xf32, #tpu.memory_space<vmem_shared>>) target_semaphore(%run_scoped3A : memref<!tpu.dma_semaphore, #tpu.memory_space<semaphore_mem>>)
      %dma_wait3A_79 = arith.constant 0 : i32
      %dma_wait3A_80 = tpu.memref_slice %arg13[%add3A_16, %dma_wait3A_79] : memref<10240x128xf32, #tpu.memory_space<vmem_shared>> -> memref<128x128xf32, #tpu.memory_space<vmem_shared>>
      %dma_wait3A_81 = arith.constant 0 : i32
      %dma_wait3A_82 = tpu.memref_slice %arg13[%add3A_16, %dma_wait3A_81] : memref<10240x128xf32, #tpu.memory_space<vmem_shared>> -> memref<128x128xf32, #tpu.memory_space<vmem_shared>>
      tpu.wait_dma2 semaphore(%run_scoped3A : memref<!tpu.dma_semaphore, #tpu.memory_space<semaphore_mem>>) src(%arg12 : memref<128x128xf32, #tpu.memory_space<vmem>>) dst(%dma_wait3A_82 : memref<128x128xf32, #tpu.memory_space<vmem_shared>>)
      tpu.yield
    }) : () -> ()
    %add3A_17 = arith.constant 512 : i32
    %add3A_18 = arith.addi %mul3A_8, %add3A_17 : i32
    "tpu.region"() ({
      %run_scoped3A = tpu.sem_alloc : memref<!tpu.dma_semaphore, #tpu.memory_space<semaphore_mem>>
      %dma_start3A_75 = arith.constant 0 : i32
      %dma_start3A_76 = tpu.memref_slice %arg13[%add3A_18, %dma_start3A_75] : memref<10240x128xf32, #tpu.memory_space<vmem_shared>> -> memref<128x128xf32, #tpu.memory_space<vmem_shared>>
      %dma_start3A_77 = arith.constant 0 : i32
      %dma_start3A_78 = tpu.memref_slice %arg13[%add3A_18, %dma_start3A_77] : memref<10240x128xf32, #tpu.memory_space<vmem_shared>> -> memref<128x128xf32, #tpu.memory_space<vmem_shared>>
      tpu.enqueue_dma source(%arg12 : memref<128x128xf32, #tpu.memory_space<vmem>>) target(%dma_start3A_78 : memref<128x128xf32, #tpu.memory_space<vmem_shared>>) target_semaphore(%run_scoped3A : memref<!tpu.dma_semaphore, #tpu.memory_space<semaphore_mem>>)
      %dma_wait3A_79 = arith.constant 0 : i32
      %dma_wait3A_80 = tpu.memref_slice %arg13[%add3A_18, %dma_wait3A_79] : memref<10240x128xf32, #tpu.memory_space<vmem_shared>> -> memref<128x128xf32, #tpu.memory_space<vmem_shared>>
      %dma_wait3A_81 = arith.constant 0 : i32
      %dma_wait3A_82 = tpu.memref_slice %arg13[%add3A_18, %dma_wait3A_81] : memref<10240x128xf32, #tpu.memory_space<vmem_shared>> -> memref<128x128xf32, #tpu.memory_space<vmem_shared>>
      tpu.wait_dma2 semaphore(%run_scoped3A : memref<!tpu.dma_semaphore, #tpu.memory_space<semaphore_mem>>) src(%arg12 : memref<128x128xf32, #tpu.memory_space<vmem>>) dst(%dma_wait3A_82 : memref<128x128xf32, #tpu.memory_space<vmem_shared>>)
      tpu.yield
    }) : () -> ()
    %barrier3A = arith.constant 0 : index
    tpu.barrier barrier_id(%barrier3A)
    %mul3A_19 = arith.constant 125 : i32
    %mul3A_20 = arith.muli %add3A, %mul3A_19 : i32
    %mul3A_21 = arith.constant 80 : i32
    %mul3A_22 = arith.muli %mul3A_20, %mul3A_21 : i32
    %add3A_23 = arith.constant 0 : i32
    %add3A_24 = arith.addi %mul3A_22, %add3A_23 : i32
    %dma_start3A = tpu.memref_slice %arg3[%add3A_24] : memref<320000xi32, #tpu.memory_space<hbm>> -> memref<80xi32, #tpu.memory_space<hbm>>
    %dma_start3A_25 = tpu.memref_slice %arg3[%add3A_24] : memref<320000xi32, #tpu.memory_space<hbm>> -> memref<80xi32, #tpu.memory_space<hbm>>
    tpu.enqueue_dma source(%dma_start3A_25 : memref<80xi32, #tpu.memory_space<hbm>>) target(%arg6 : memref<80xi32, #tpu.memory_space<vmem>>) target_semaphore(%arg14 : memref<!tpu.dma_semaphore, #tpu.memory_space<semaphore_mem>>)
    %dma_start3A_26 = tpu.memref_slice %arg4[%add3A_24] : memref<320000xi32, #tpu.memory_space<hbm>> -> memref<80xi32, #tpu.memory_space<hbm>>
    %dma_start3A_27 = tpu.memref_slice %arg4[%add3A_24] : memref<320000xi32, #tpu.memory_space<hbm>> -> memref<80xi32, #tpu.memory_space<hbm>>
    tpu.enqueue_dma source(%dma_start3A_27 : memref<80xi32, #tpu.memory_space<hbm>>) target(%arg7 : memref<80xi32, #tpu.memory_space<vmem>>) target_semaphore(%arg14 : memref<!tpu.dma_semaphore, #tpu.memory_space<semaphore_mem>>)
    %add3A_28 = arith.constant 0 : i32
    %add3A_29 = arith.addi %mul3A_22, %add3A_28 : i32
    %dma_wait3A = tpu.memref_slice %arg3[%add3A_29] : memref<320000xi32, #tpu.memory_space<hbm>> -> memref<80xi32, #tpu.memory_space<hbm>>
    %dma_wait3A_30 = tpu.memref_slice %arg3[%add3A_29] : memref<320000xi32, #tpu.memory_space<hbm>> -> memref<80xi32, #tpu.memory_space<hbm>>
    tpu.wait_dma2 semaphore(%arg14 : memref<!tpu.dma_semaphore, #tpu.memory_space<semaphore_mem>>) src(%dma_wait3A_30 : memref<80xi32, #tpu.memory_space<hbm>>) dst(%arg6 : memref<80xi32, #tpu.memory_space<vmem>>)
    %dma_wait3A_31 = tpu.memref_slice %arg4[%add3A_29] : memref<320000xi32, #tpu.memory_space<hbm>> -> memref<80xi32, #tpu.memory_space<hbm>>
    %dma_wait3A_32 = tpu.memref_slice %arg4[%add3A_29] : memref<320000xi32, #tpu.memory_space<hbm>> -> memref<80xi32, #tpu.memory_space<hbm>>
    tpu.wait_dma2 semaphore(%arg14 : memref<!tpu.dma_semaphore, #tpu.memory_space<semaphore_mem>>) src(%dma_wait3A_32 : memref<80xi32, #tpu.memory_space<hbm>>) dst(%arg7 : memref<80xi32, #tpu.memory_space<vmem>>)
    %dma_start3A_33 = arith.constant 0 : i32
    %dma_start3A_34 = arith.constant 0 : i32
    %dma_start3A_35 = tpu.memref_slice %arg2[%dma_start3A_33, %dma_start3A_34] : memref<10000x128xf32, #tpu.memory_space<hbm>> -> memref<10000x128xf32, #tpu.memory_space<hbm>>
    tpu.enqueue_indirect_dma source(%dma_start3A_35 : memref<10000x128xf32, #tpu.memory_space<hbm>>) target(%arg10 : memref<80x128xf32, #tpu.memory_space<vmem>>) offsets(%arg6 : memref<80xi32, #tpu.memory_space<vmem>>) semaphore(%arg16 : memref<!tpu.dma_semaphore, #tpu.memory_space<semaphore_mem>>)
    %add3A_36 = arith.constant 80 : i32
    %add3A_37 = arith.addi %mul3A_22, %add3A_36 : i32
    %dma_start3A_38 = tpu.memref_slice %arg3[%add3A_37] : memref<320000xi32, #tpu.memory_space<hbm>> -> memref<80xi32, #tpu.memory_space<hbm>>
    %dma_start3A_39 = tpu.memref_slice %arg3[%add3A_37] : memref<320000xi32, #tpu.memory_space<hbm>> -> memref<80xi32, #tpu.memory_space<hbm>>
    tpu.enqueue_dma source(%dma_start3A_39 : memref<80xi32, #tpu.memory_space<hbm>>) target(%arg8 : memref<80xi32, #tpu.memory_space<vmem>>) target_semaphore(%arg15 : memref<!tpu.dma_semaphore, #tpu.memory_space<semaphore_mem>>)
    %dma_start3A_40 = tpu.memref_slice %arg4[%add3A_37] : memref<320000xi32, #tpu.memory_space<hbm>> -> memref<80xi32, #tpu.memory_space<hbm>>
    %dma_start3A_41 = tpu.memref_slice %arg4[%add3A_37] : memref<320000xi32, #tpu.memory_space<hbm>> -> memref<80xi32, #tpu.memory_space<hbm>>
    tpu.enqueue_dma source(%dma_start3A_41 : memref<80xi32, #tpu.memory_space<hbm>>) target(%arg9 : memref<80xi32, #tpu.memory_space<vmem>>) target_semaphore(%arg15 : memref<!tpu.dma_semaphore, #tpu.memory_space<semaphore_mem>>)
    %scan3A_42 = arith.constant 0 : i32
    %scan3A_43 = arith.constant 0 : i32
    %scan3A_44 = arith.constant 62 : i32
    %scan3A_45 = arith.addi %scan3A_43, %scan3A_44 : i32
    %scan3A_46 = arith.constant 1 : i32
    scf.for %scan3A_75 = %scan3A_43 to %scan3A_45 step %scan3A_46  : i32 {
      %mul3A_76 = arith.constant 2 : i32
      %mul3A_77 = arith.muli %mul3A_76, %scan3A_75 : i32
      %add3A_78 = arith.constant 1 : i32
      %add3A_79 = arith.addi %mul3A_77, %add3A_78 : i32
      %mul3A_80 = arith.constant 80 : i32
      %mul3A_81 = arith.muli %add3A_79, %mul3A_80 : i32
      %add3A_82 = arith.addi %mul3A_22, %mul3A_81 : i32
      %dma_wait3A_83 = tpu.memref_slice %arg3[%add3A_82] : memref<320000xi32, #tpu.memory_space<hbm>> -> memref<80xi32, #tpu.memory_space<hbm>>
      %dma_wait3A_84 = tpu.memref_slice %arg3[%add3A_82] : memref<320000xi32, #tpu.memory_space<hbm>> -> memref<80xi32, #tpu.memory_space<hbm>>
      tpu.wait_dma2 semaphore(%arg15 : memref<!tpu.dma_semaphore, #tpu.memory_space<semaphore_mem>>) src(%dma_wait3A_84 : memref<80xi32, #tpu.memory_space<hbm>>) dst(%arg8 : memref<80xi32, #tpu.memory_space<vmem>>)
      %dma_wait3A_85 = tpu.memref_slice %arg4[%add3A_82] : memref<320000xi32, #tpu.memory_space<hbm>> -> memref<80xi32, #tpu.memory_space<hbm>>
      %dma_wait3A_86 = tpu.memref_slice %arg4[%add3A_82] : memref<320000xi32, #tpu.memory_space<hbm>> -> memref<80xi32, #tpu.memory_space<hbm>>
      tpu.wait_dma2 semaphore(%arg15 : memref<!tpu.dma_semaphore, #tpu.memory_space<semaphore_mem>>) src(%dma_wait3A_86 : memref<80xi32, #tpu.memory_space<hbm>>) dst(%arg9 : memref<80xi32, #tpu.memory_space<vmem>>)
      %dma_start3A_87 = arith.constant 0 : i32
      %dma_start3A_88 = arith.constant 0 : i32
      %dma_start3A_89 = tpu.memref_slice %arg2[%dma_start3A_87, %dma_start3A_88] : memref<10000x128xf32, #tpu.memory_space<hbm>> -> memref<10000x128xf32, #tpu.memory_space<hbm>>
      tpu.enqueue_indirect_dma source(%dma_start3A_89 : memref<10000x128xf32, #tpu.memory_space<hbm>>) target(%arg11 : memref<80x128xf32, #tpu.memory_space<vmem>>) offsets(%arg8 : memref<80xi32, #tpu.memory_space<vmem>>) semaphore(%arg17 : memref<!tpu.dma_semaphore, #tpu.memory_space<semaphore_mem>>)
      %dma_wait3A_90 = arith.constant 0 : i32
      %dma_wait3A_91 = arith.constant 0 : i32
      %dma_wait3A_92 = tpu.memref_slice %arg2[%dma_wait3A_90, %dma_wait3A_91] : memref<10000x128xf32, #tpu.memory_space<hbm>> -> memref<10000x128xf32, #tpu.memory_space<hbm>>
      tpu.wait_indirect_dma semaphore(%arg16 : memref<!tpu.dma_semaphore, #tpu.memory_space<semaphore_mem>>) src(%dma_wait3A_92 : memref<10000x128xf32, #tpu.memory_space<hbm>>) dst(%arg10 : memref<80x128xf32, #tpu.memory_space<vmem>>)
      %add3A_93 = arith.constant 2 : i32
      %add3A_94 = arith.addi %mul3A_77, %add3A_93 : i32
      %mul3A_95 = arith.constant 80 : i32
      %mul3A_96 = arith.muli %add3A_94, %mul3A_95 : i32
      %add3A_97 = arith.addi %mul3A_22, %mul3A_96 : i32
      %dma_start3A_98 = tpu.memref_slice %arg3[%add3A_97] : memref<320000xi32, #tpu.memory_space<hbm>> -> memref<80xi32, #tpu.memory_space<hbm>>
      %dma_start3A_99 = tpu.memref_slice %arg3[%add3A_97] : memref<320000xi32, #tpu.memory_space<hbm>> -> memref<80xi32, #tpu.memory_space<hbm>>
      tpu.enqueue_dma source(%dma_start3A_99 : memref<80xi32, #tpu.memory_space<hbm>>) target(%arg6 : memref<80xi32, #tpu.memory_space<vmem>>) target_semaphore(%arg14 : memref<!tpu.dma_semaphore, #tpu.memory_space<semaphore_mem>>)
      %dma_start3A_100 = tpu.memref_slice %arg4[%add3A_97] : memref<320000xi32, #tpu.memory_space<hbm>> -> memref<80xi32, #tpu.memory_space<hbm>>
      %dma_start3A_101 = tpu.memref_slice %arg4[%add3A_97] : memref<320000xi32, #tpu.memory_space<hbm>> -> memref<80xi32, #tpu.memory_space<hbm>>
      tpu.enqueue_dma source(%dma_start3A_101 : memref<80xi32, #tpu.memory_space<hbm>>) target(%arg7 : memref<80xi32, #tpu.memory_space<vmem>>) target_semaphore(%arg14 : memref<!tpu.dma_semaphore, #tpu.memory_space<semaphore_mem>>)
      "tpu.region"() ({
        %run_scoped3A = tpu.sem_alloc : memref<!tpu.dma_semaphore, #tpu.memory_space<semaphore_mem>>
        %dma_start3A_119 = arith.constant 0 : i32
        %dma_start3A_120 = arith.constant 0 : i32
        %dma_start3A_121 = tpu.memref_slice %arg13[%dma_start3A_119, %dma_start3A_120] : memref<10240x128xf32, #tpu.memory_space<vmem_shared>> -> memref<10240x128xf32, #tpu.memory_space<vmem_shared>>
        tpu.enqueue_indirect_dma source(%arg10 : memref<80x128xf32, #tpu.memory_space<vmem>>) target(%dma_start3A_121 : memref<10240x128xf32, #tpu.memory_space<vmem_shared>>) offsets(%arg7 : memref<80xi32, #tpu.memory_space<vmem>>) semaphore(%run_scoped3A : memref<!tpu.dma_semaphore, #tpu.memory_space<semaphore_mem>>) {add = true}
        %dma_wait3A_122 = arith.constant 0 : i32
        %dma_wait3A_123 = arith.constant 0 : i32
        %dma_wait3A_124 = tpu.memref_slice %arg13[%dma_wait3A_122, %dma_wait3A_123] : memref<10240x128xf32, #tpu.memory_space<vmem_shared>> -> memref<10240x128xf32, #tpu.memory_space<vmem_shared>>
        tpu.wait_indirect_dma semaphore(%run_scoped3A : memref<!tpu.dma_semaphore, #tpu.memory_space<semaphore_mem>>) src(%arg10 : memref<80x128xf32, #tpu.memory_space<vmem>>) dst(%dma_wait3A_124 : memref<10240x128xf32, #tpu.memory_space<vmem_shared>>)
        tpu.yield
      }) : () -> ()
      %add3A_102 = arith.constant 2 : i32
      %add3A_103 = arith.addi %mul3A_77, %add3A_102 : i32
      %mul3A_104 = arith.constant 80 : i32
      %mul3A_105 = arith.muli %add3A_103, %mul3A_104 : i32
      %add3A_106 = arith.addi %mul3A_22, %mul3A_105 : i32
      %dma_wait3A_107 = tpu.memref_slice %arg3[%add3A_106] : memref<320000xi32, #tpu.memory_space<hbm>> -> memref<80xi32, #tpu.memory_space<hbm>>
      %dma_wait3A_108 = tpu.memref_slice %arg3[%add3A_106] : memref<320000xi32, #tpu.memory_space<hbm>> -> memref<80xi32, #tpu.memory_space<hbm>>
      tpu.wait_dma2 semaphore(%arg14 : memref<!tpu.dma_semaphore, #tpu.memory_space<semaphore_mem>>) src(%dma_wait3A_108 : memref<80xi32, #tpu.memory_space<hbm>>) dst(%arg6 : memref<80xi32, #tpu.memory_space<vmem>>)
      %dma_wait3A_109 = tpu.memref_slice %arg4[%add3A_106] : memref<320000xi32, #tpu.memory_space<hbm>> -> memref<80xi32, #tpu.memory_space<hbm>>
      %dma_wait3A_110 = tpu.memref_slice %arg4[%add3A_106] : memref<320000xi32, #tpu.memory_space<hbm>> -> memref<80xi32, #tpu.memory_space<hbm>>
      tpu.wait_dma2 semaphore(%arg14 : memref<!tpu.dma_semaphore, #tpu.memory_space<semaphore_mem>>) src(%dma_wait3A_110 : memref<80xi32, #tpu.memory_space<hbm>>) dst(%arg7 : memref<80xi32, #tpu.memory_space<vmem>>)
      %dma_start3A_111 = arith.constant 0 : i32
      %dma_start3A_112 = arith.constant 0 : i32
      %dma_start3A_113 = tpu.memref_slice %arg2[%dma_start3A_111, %dma_start3A_112] : memref<10000x128xf32, #tpu.memory_space<hbm>> -> memref<10000x128xf32, #tpu.memory_space<hbm>>
      tpu.enqueue_indirect_dma source(%dma_start3A_113 : memref<10000x128xf32, #tpu.memory_space<hbm>>) target(%arg10 : memref<80x128xf32, #tpu.memory_space<vmem>>) offsets(%arg6 : memref<80xi32, #tpu.memory_space<vmem>>) semaphore(%arg16 : memref<!tpu.dma_semaphore, #tpu.memory_space<semaphore_mem>>)
      %dma_wait3A_114 = arith.constant 0 : i32
      %dma_wait3A_115 = arith.constant 0 : i32
      %dma_wait3A_116 = tpu.memref_slice %arg2[%dma_wait3A_114, %dma_wait3A_115] : memref<10000x128xf32, #tpu.memory_space<hbm>> -> memref<10000x128xf32, #tpu.memory_space<hbm>>
      tpu.wait_indirect_dma semaphore(%arg17 : memref<!tpu.dma_semaphore, #tpu.memory_space<semaphore_mem>>) src(%dma_wait3A_116 : memref<10000x128xf32, #tpu.memory_space<hbm>>) dst(%arg11 : memref<80x128xf32, #tpu.memory_space<vmem>>)
      %lt3A = arith.constant 61 : i32
      %lt3A_117 = arith.cmpi slt, %scan3A_75, %lt3A : i32
      %convert_element_type3A = arith.extui %lt3A_117 : i1 to i32
      %cond3A = arith.constant 0 : i32
      %cond3A_118 = arith.cmpi ne, %convert_element_type3A, %cond3A : i32
      scf.if %cond3A_118 {
        %add3A_119 = arith.constant 2 : i32
        %add3A_120 = arith.addi %add3A_79, %add3A_119 : i32
        %mul3A_121 = arith.constant 80 : i32
        %mul3A_122 = arith.muli %add3A_120, %mul3A_121 : i32
        %add3A_123 = arith.addi %mul3A_22, %mul3A_122 : i32
        %dma_start3A_124 = tpu.memref_slice %arg3[%add3A_123] : memref<320000xi32, #tpu.memory_space<hbm>> -> memref<80xi32, #tpu.memory_space<hbm>>
        %dma_start3A_125 = tpu.memref_slice %arg3[%add3A_123] : memref<320000xi32, #tpu.memory_space<hbm>> -> memref<80xi32, #tpu.memory_space<hbm>>
        tpu.enqueue_dma source(%dma_start3A_125 : memref<80xi32, #tpu.memory_space<hbm>>) target(%arg8 : memref<80xi32, #tpu.memory_space<vmem>>) target_semaphore(%arg15 : memref<!tpu.dma_semaphore, #tpu.memory_space<semaphore_mem>>)
        %dma_start3A_126 = tpu.memref_slice %arg4[%add3A_123] : memref<320000xi32, #tpu.memory_space<hbm>> -> memref<80xi32, #tpu.memory_space<hbm>>
        %dma_start3A_127 = tpu.memref_slice %arg4[%add3A_123] : memref<320000xi32, #tpu.memory_space<hbm>> -> memref<80xi32, #tpu.memory_space<hbm>>
        tpu.enqueue_dma source(%dma_start3A_127 : memref<80xi32, #tpu.memory_space<hbm>>) target(%arg9 : memref<80xi32, #tpu.memory_space<vmem>>) target_semaphore(%arg15 : memref<!tpu.dma_semaphore, #tpu.memory_space<semaphore_mem>>)
      } else {
      }
      "tpu.region"() ({
        %run_scoped3A = tpu.sem_alloc : memref<!tpu.dma_semaphore, #tpu.memory_space<semaphore_mem>>
        %dma_start3A_119 = arith.constant 0 : i32
        %dma_start3A_120 = arith.constant 0 : i32
        %dma_start3A_121 = tpu.memref_slice %arg13[%dma_start3A_119, %dma_start3A_120] : memref<10240x128xf32, #tpu.memory_space<vmem_shared>> -> memref<10240x128xf32, #tpu.memory_space<vmem_shared>>
        tpu.enqueue_indirect_dma source(%arg11 : memref<80x128xf32, #tpu.memory_space<vmem>>) target(%dma_start3A_121 : memref<10240x128xf32, #tpu.memory_space<vmem_shared>>) offsets(%arg9 : memref<80xi32, #tpu.memory_space<vmem>>) semaphore(%run_scoped3A : memref<!tpu.dma_semaphore, #tpu.memory_space<semaphore_mem>>) {add = true}
        %dma_wait3A_122 = arith.constant 0 : i32
        %dma_wait3A_123 = arith.constant 0 : i32
        %dma_wait3A_124 = tpu.memref_slice %arg13[%dma_wait3A_122, %dma_wait3A_123] : memref<10240x128xf32, #tpu.memory_space<vmem_shared>> -> memref<10240x128xf32, #tpu.memory_space<vmem_shared>>
        tpu.wait_indirect_dma semaphore(%run_scoped3A : memref<!tpu.dma_semaphore, #tpu.memory_space<semaphore_mem>>) src(%arg11 : memref<80x128xf32, #tpu.memory_space<vmem>>) dst(%dma_wait3A_124 : memref<10240x128xf32, #tpu.memory_space<vmem_shared>>)
        tpu.yield
      }) : () -> ()
    }
    %scan3A_47 = arith.constant 62 : i32
    %dma_wait3A_48 = arith.constant 0 : i32
    %dma_wait3A_49 = arith.constant 0 : i32
    %dma_wait3A_50 = tpu.memref_slice %arg2[%dma_wait3A_48, %dma_wait3A_49] : memref<10000x128xf32, #tpu.memory_space<hbm>> -> memref<10000x128xf32, #tpu.memory_space<hbm>>
    tpu.wait_indirect_dma semaphore(%arg16 : memref<!tpu.dma_semaphore, #tpu.memory_space<semaphore_mem>>) src(%dma_wait3A_50 : memref<10000x128xf32, #tpu.memory_space<hbm>>) dst(%arg10 : memref<80x128xf32, #tpu.memory_space<vmem>>)
    "tpu.region"() ({
      %run_scoped3A = tpu.sem_alloc : memref<!tpu.dma_semaphore, #tpu.memory_space<semaphore_mem>>
      %dma_start3A_75 = arith.constant 0 : i32
      %dma_start3A_76 = arith.constant 0 : i32
      %dma_start3A_77 = tpu.memref_slice %arg13[%dma_start3A_75, %dma_start3A_76] : memref<10240x128xf32, #tpu.memory_space<vmem_shared>> -> memref<10240x128xf32, #tpu.memory_space<vmem_shared>>
      tpu.enqueue_indirect_dma source(%arg10 : memref<80x128xf32, #tpu.memory_space<vmem>>) target(%dma_start3A_77 : memref<10240x128xf32, #tpu.memory_space<vmem_shared>>) offsets(%arg7 : memref<80xi32, #tpu.memory_space<vmem>>) semaphore(%run_scoped3A : memref<!tpu.dma_semaphore, #tpu.memory_space<semaphore_mem>>) {add = true}
      %dma_wait3A_78 = arith.constant 0 : i32
      %dma_wait3A_79 = arith.constant 0 : i32
      %dma_wait3A_80 = tpu.memref_slice %arg13[%dma_wait3A_78, %dma_wait3A_79] : memref<10240x128xf32, #tpu.memory_space<vmem_shared>> -> memref<10240x128xf32, #tpu.memory_space<vmem_shared>>
      tpu.wait_indirect_dma semaphore(%run_scoped3A : memref<!tpu.dma_semaphore, #tpu.memory_space<semaphore_mem>>) src(%arg10 : memref<80x128xf32, #tpu.memory_space<vmem>>) dst(%dma_wait3A_80 : memref<10240x128xf32, #tpu.memory_space<vmem_shared>>)
      tpu.yield
    }) : () -> ()
    %barrier3A_51 = arith.constant 0 : index
    tpu.barrier barrier_id(%barrier3A_51)
    %mul3A_52 = arith.constant 10240 : i32
    %mul3A_53 = arith.muli %arg0, %mul3A_52 : i32
    %add3A_54 = arith.addi %mul3A_53, %mul3A_8 : i32
    %add3A_55 = arith.constant 0 : i32
    %add3A_56 = arith.addi %mul3A_8, %add3A_55 : i32
    "tpu.region"() ({
      %run_scoped3A = tpu.sem_alloc : memref<!tpu.dma_semaphore, #tpu.memory_space<semaphore_mem>>
      %dma_start3A_75 = arith.constant 0 : i32
      %dma_start3A_76 = tpu.memref_slice %arg13[%add3A_56, %dma_start3A_75] : memref<10240x128xf32, #tpu.memory_space<vmem_shared>> -> memref<128x128xf32, #tpu.memory_space<vmem_shared>>
      %dma_start3A_77 = arith.constant 0 : i32
      %dma_start3A_78 = tpu.memref_slice %arg13[%add3A_56, %dma_start3A_77] : memref<10240x128xf32, #tpu.memory_space<vmem_shared>> -> memref<128x128xf32, #tpu.memory_space<vmem_shared>>
      tpu.enqueue_dma source(%dma_start3A_78 : memref<128x128xf32, #tpu.memory_space<vmem_shared>>) target(%arg12 : memref<128x128xf32, #tpu.memory_space<vmem>>) target_semaphore(%run_scoped3A : memref<!tpu.dma_semaphore, #tpu.memory_space<semaphore_mem>>)
      %dma_wait3A_79 = arith.constant 0 : i32
      %dma_wait3A_80 = tpu.memref_slice %arg13[%add3A_56, %dma_wait3A_79] : memref<10240x128xf32, #tpu.memory_space<vmem_shared>> -> memref<128x128xf32, #tpu.memory_space<vmem_shared>>
      %dma_wait3A_81 = arith.constant 0 : i32
      %dma_wait3A_82 = tpu.memref_slice %arg13[%add3A_56, %dma_wait3A_81] : memref<10240x128xf32, #tpu.memory_space<vmem_shared>> -> memref<128x128xf32, #tpu.memory_space<vmem_shared>>
      tpu.wait_dma2 semaphore(%run_scoped3A : memref<!tpu.dma_semaphore, #tpu.memory_space<semaphore_mem>>) src(%dma_wait3A_82 : memref<128x128xf32, #tpu.memory_space<vmem_shared>>) dst(%arg12 : memref<128x128xf32, #tpu.memory_space<vmem>>)
      tpu.yield
    }) : () -> ()
    %add3A_57 = arith.constant 0 : i32
    %add3A_58 = arith.addi %add3A_54, %add3A_57 : i32
    "tpu.region"() ({
      %run_scoped3A = tpu.sem_alloc : memref<!tpu.dma_semaphore, #tpu.memory_space<semaphore_mem>>
      %dma_start3A_75 = arith.constant 0 : i32
      %dma_start3A_76 = tpu.memref_slice %arg5[%add3A_58, %dma_start3A_75] : memref<20480x128xf32, #tpu.memory_space<hbm>> -> memref<128x128xf32, #tpu.memory_space<hbm>>
      %dma_start3A_77 = arith.constant 0 : i32
      %dma_start3A_78 = tpu.memref_slice %arg5[%add3A_58, %dma_start3A_77] : memref<20480x128xf32, #tpu.memory_space<hbm>> -> memref<128x128xf32, #tpu.memory_space<hbm>>
      tpu.enqueue_dma source(%arg12 : memref<128x128xf32, #tpu.memory_space<vmem>>) target(%dma_start3A_78 : memref<128x128xf32, #tpu.memory_space<hbm>>) target_semaphore(%run_scoped3A : memref<!tpu.dma_semaphore, #tpu.memory_space<semaphore_mem>>)
      %dma_wait3A_79 = arith.constant 0 : i32
      %dma_wait3A_80 = tpu.memref_slice %arg5[%add3A_58, %dma_wait3A_79] : memref<20480x128xf32, #tpu.memory_space<hbm>> -> memref<128x128xf32, #tpu.memory_space<hbm>>
      %dma_wait3A_81 = arith.constant 0 : i32
      %dma_wait3A_82 = tpu.memref_slice %arg5[%add3A_58, %dma_wait3A_81] : memref<20480x128xf32, #tpu.memory_space<hbm>> -> memref<128x128xf32, #tpu.memory_space<hbm>>
      tpu.wait_dma2 semaphore(%run_scoped3A : memref<!tpu.dma_semaphore, #tpu.memory_space<semaphore_mem>>) src(%arg12 : memref<128x128xf32, #tpu.memory_space<vmem>>) dst(%dma_wait3A_82 : memref<128x128xf32, #tpu.memory_space<hbm>>)
      tpu.yield
    }) : () -> ()
    %add3A_59 = arith.constant 128 : i32
    %add3A_60 = arith.addi %mul3A_8, %add3A_59 : i32
    "tpu.region"() ({
      %run_scoped3A = tpu.sem_alloc : memref<!tpu.dma_semaphore, #tpu.memory_space<semaphore_mem>>
      %dma_start3A_75 = arith.constant 0 : i32
      %dma_start3A_76 = tpu.memref_slice %arg13[%add3A_60, %dma_start3A_75] : memref<10240x128xf32, #tpu.memory_space<vmem_shared>> -> memref<128x128xf32, #tpu.memory_space<vmem_shared>>
      %dma_start3A_77 = arith.constant 0 : i32
      %dma_start3A_78 = tpu.memref_slice %arg13[%add3A_60, %dma_start3A_77] : memref<10240x128xf32, #tpu.memory_space<vmem_shared>> -> memref<128x128xf32, #tpu.memory_space<vmem_shared>>
      tpu.enqueue_dma source(%dma_start3A_78 : memref<128x128xf32, #tpu.memory_space<vmem_shared>>) target(%arg12 : memref<128x128xf32, #tpu.memory_space<vmem>>) target_semaphore(%run_scoped3A : memref<!tpu.dma_semaphore, #tpu.memory_space<semaphore_mem>>)
      %dma_wait3A_79 = arith.constant 0 : i32
      %dma_wait3A_80 = tpu.memref_slice %arg13[%add3A_60, %dma_wait3A_79] : memref<10240x128xf32, #tpu.memory_space<vmem_shared>> -> memref<128x128xf32, #tpu.memory_space<vmem_shared>>
      %dma_wait3A_81 = arith.constant 0 : i32
      %dma_wait3A_82 = tpu.memref_slice %arg13[%add3A_60, %dma_wait3A_81] : memref<10240x128xf32, #tpu.memory_space<vmem_shared>> -> memref<128x128xf32, #tpu.memory_space<vmem_shared>>
      tpu.wait_dma2 semaphore(%run_scoped3A : memref<!tpu.dma_semaphore, #tpu.memory_space<semaphore_mem>>) src(%dma_wait3A_82 : memref<128x128xf32, #tpu.memory_space<vmem_shared>>) dst(%arg12 : memref<128x128xf32, #tpu.memory_space<vmem>>)
      tpu.yield
    }) : () -> ()
    %add3A_61 = arith.constant 128 : i32
    %add3A_62 = arith.addi %add3A_54, %add3A_61 : i32
    "tpu.region"() ({
      %run_scoped3A = tpu.sem_alloc : memref<!tpu.dma_semaphore, #tpu.memory_space<semaphore_mem>>
      %dma_start3A_75 = arith.constant 0 : i32
      %dma_start3A_76 = tpu.memref_slice %arg5[%add3A_62, %dma_start3A_75] : memref<20480x128xf32, #tpu.memory_space<hbm>> -> memref<128x128xf32, #tpu.memory_space<hbm>>
      %dma_start3A_77 = arith.constant 0 : i32
      %dma_start3A_78 = tpu.memref_slice %arg5[%add3A_62, %dma_start3A_77] : memref<20480x128xf32, #tpu.memory_space<hbm>> -> memref<128x128xf32, #tpu.memory_space<hbm>>
      tpu.enqueue_dma source(%arg12 : memref<128x128xf32, #tpu.memory_space<vmem>>) target(%dma_start3A_78 : memref<128x128xf32, #tpu.memory_space<hbm>>) target_semaphore(%run_scoped3A : memref<!tpu.dma_semaphore, #tpu.memory_space<semaphore_mem>>)
      %dma_wait3A_79 = arith.constant 0 : i32
      %dma_wait3A_80 = tpu.memref_slice %arg5[%add3A_62, %dma_wait3A_79] : memref<20480x128xf32, #tpu.memory_space<hbm>> -> memref<128x128xf32, #tpu.memory_space<hbm>>
      %dma_wait3A_81 = arith.constant 0 : i32
      %dma_wait3A_82 = tpu.memref_slice %arg5[%add3A_62, %dma_wait3A_81] : memref<20480x128xf32, #tpu.memory_space<hbm>> -> memref<128x128xf32, #tpu.memory_space<hbm>>
      tpu.wait_dma2 semaphore(%run_scoped3A : memref<!tpu.dma_semaphore, #tpu.memory_space<semaphore_mem>>) src(%arg12 : memref<128x128xf32, #tpu.memory_space<vmem>>) dst(%dma_wait3A_82 : memref<128x128xf32, #tpu.memory_space<hbm>>)
      tpu.yield
    }) : () -> ()
    %add3A_63 = arith.constant 256 : i32
    %add3A_64 = arith.addi %mul3A_8, %add3A_63 : i32
    "tpu.region"() ({
      %run_scoped3A = tpu.sem_alloc : memref<!tpu.dma_semaphore, #tpu.memory_space<semaphore_mem>>
      %dma_start3A_75 = arith.constant 0 : i32
      %dma_start3A_76 = tpu.memref_slice %arg13[%add3A_64, %dma_start3A_75] : memref<10240x128xf32, #tpu.memory_space<vmem_shared>> -> memref<128x128xf32, #tpu.memory_space<vmem_shared>>
      %dma_start3A_77 = arith.constant 0 : i32
      %dma_start3A_78 = tpu.memref_slice %arg13[%add3A_64, %dma_start3A_77] : memref<10240x128xf32, #tpu.memory_space<vmem_shared>> -> memref<128x128xf32, #tpu.memory_space<vmem_shared>>
      tpu.enqueue_dma source(%dma_start3A_78 : memref<128x128xf32, #tpu.memory_space<vmem_shared>>) target(%arg12 : memref<128x128xf32, #tpu.memory_space<vmem>>) target_semaphore(%run_scoped3A : memref<!tpu.dma_semaphore, #tpu.memory_space<semaphore_mem>>)
      %dma_wait3A_79 = arith.constant 0 : i32
      %dma_wait3A_80 = tpu.memref_slice %arg13[%add3A_64, %dma_wait3A_79] : memref<10240x128xf32, #tpu.memory_space<vmem_shared>> -> memref<128x128xf32, #tpu.memory_space<vmem_shared>>
      %dma_wait3A_81 = arith.constant 0 : i32
      %dma_wait3A_82 = tpu.memref_slice %arg13[%add3A_64, %dma_wait3A_81] : memref<10240x128xf32, #tpu.memory_space<vmem_shared>> -> memref<128x128xf32, #tpu.memory_space<vmem_shared>>
      tpu.wait_dma2 semaphore(%run_scoped3A : memref<!tpu.dma_semaphore, #tpu.memory_space<semaphore_mem>>) src(%dma_wait3A_82 : memref<128x128xf32, #tpu.memory_space<vmem_shared>>) dst(%arg12 : memref<128x128xf32, #tpu.memory_space<vmem>>)
      tpu.yield
    }) : () -> ()
    %add3A_65 = arith.constant 256 : i32
    %add3A_66 = arith.addi %add3A_54, %add3A_65 : i32
    "tpu.region"() ({
      %run_scoped3A = tpu.sem_alloc : memref<!tpu.dma_semaphore, #tpu.memory_space<semaphore_mem>>
      %dma_start3A_75 = arith.constant 0 : i32
      %dma_start3A_76 = tpu.memref_slice %arg5[%add3A_66, %dma_start3A_75] : memref<20480x128xf32, #tpu.memory_space<hbm>> -> memref<128x128xf32, #tpu.memory_space<hbm>>
      %dma_start3A_77 = arith.constant 0 : i32
      %dma_start3A_78 = tpu.memref_slice %arg5[%add3A_66, %dma_start3A_77] : memref<20480x128xf32, #tpu.memory_space<hbm>> -> memref<128x128xf32, #tpu.memory_space<hbm>>
      tpu.enqueue_dma source(%arg12 : memref<128x128xf32, #tpu.memory_space<vmem>>) target(%dma_start3A_78 : memref<128x128xf32, #tpu.memory_space<hbm>>) target_semaphore(%run_scoped3A : memref<!tpu.dma_semaphore, #tpu.memory_space<semaphore_mem>>)
      %dma_wait3A_79 = arith.constant 0 : i32
      %dma_wait3A_80 = tpu.memref_slice %arg5[%add3A_66, %dma_wait3A_79] : memref<20480x128xf32, #tpu.memory_space<hbm>> -> memref<128x128xf32, #tpu.memory_space<hbm>>
      %dma_wait3A_81 = arith.constant 0 : i32
      %dma_wait3A_82 = tpu.memref_slice %arg5[%add3A_66, %dma_wait3A_81] : memref<20480x128xf32, #tpu.memory_space<hbm>> -> memref<128x128xf32, #tpu.memory_space<hbm>>
      tpu.wait_dma2 semaphore(%run_scoped3A : memref<!tpu.dma_semaphore, #tpu.memory_space<semaphore_mem>>) src(%arg12 : memref<128x128xf32, #tpu.memory_space<vmem>>) dst(%dma_wait3A_82 : memref<128x128xf32, #tpu.memory_space<hbm>>)
      tpu.yield
    }) : () -> ()
    %add3A_67 = arith.constant 384 : i32
    %add3A_68 = arith.addi %mul3A_8, %add3A_67 : i32
    "tpu.region"() ({
      %run_scoped3A = tpu.sem_alloc : memref<!tpu.dma_semaphore, #tpu.memory_space<semaphore_mem>>
      %dma_start3A_75 = arith.constant 0 : i32
      %dma_start3A_76 = tpu.memref_slice %arg13[%add3A_68, %dma_start3A_75] : memref<10240x128xf32, #tpu.memory_space<vmem_shared>> -> memref<128x128xf32, #tpu.memory_space<vmem_shared>>
      %dma_start3A_77 = arith.constant 0 : i32
      %dma_start3A_78 = tpu.memref_slice %arg13[%add3A_68, %dma_start3A_77] : memref<10240x128xf32, #tpu.memory_space<vmem_shared>> -> memref<128x128xf32, #tpu.memory_space<vmem_shared>>
      tpu.enqueue_dma source(%dma_start3A_78 : memref<128x128xf32, #tpu.memory_space<vmem_shared>>) target(%arg12 : memref<128x128xf32, #tpu.memory_space<vmem>>) target_semaphore(%run_scoped3A : memref<!tpu.dma_semaphore, #tpu.memory_space<semaphore_mem>>)
      %dma_wait3A_79 = arith.constant 0 : i32
      %dma_wait3A_80 = tpu.memref_slice %arg13[%add3A_68, %dma_wait3A_79] : memref<10240x128xf32, #tpu.memory_space<vmem_shared>> -> memref<128x128xf32, #tpu.memory_space<vmem_shared>>
      %dma_wait3A_81 = arith.constant 0 : i32
      %dma_wait3A_82 = tpu.memref_slice %arg13[%add3A_68, %dma_wait3A_81] : memref<10240x128xf32, #tpu.memory_space<vmem_shared>> -> memref<128x128xf32, #tpu.memory_space<vmem_shared>>
      tpu.wait_dma2 semaphore(%run_scoped3A : memref<!tpu.dma_semaphore, #tpu.memory_space<semaphore_mem>>) src(%dma_wait3A_82 : memref<128x128xf32, #tpu.memory_space<vmem_shared>>) dst(%arg12 : memref<128x128xf32, #tpu.memory_space<vmem>>)
      tpu.yield
    }) : () -> ()
    %add3A_69 = arith.constant 384 : i32
    %add3A_70 = arith.addi %add3A_54, %add3A_69 : i32
    "tpu.region"() ({
      %run_scoped3A = tpu.sem_alloc : memref<!tpu.dma_semaphore, #tpu.memory_space<semaphore_mem>>
      %dma_start3A_75 = arith.constant 0 : i32
      %dma_start3A_76 = tpu.memref_slice %arg5[%add3A_70, %dma_start3A_75] : memref<20480x128xf32, #tpu.memory_space<hbm>> -> memref<128x128xf32, #tpu.memory_space<hbm>>
      %dma_start3A_77 = arith.constant 0 : i32
      %dma_start3A_78 = tpu.memref_slice %arg5[%add3A_70, %dma_start3A_77] : memref<20480x128xf32, #tpu.memory_space<hbm>> -> memref<128x128xf32, #tpu.memory_space<hbm>>
      tpu.enqueue_dma source(%arg12 : memref<128x128xf32, #tpu.memory_space<vmem>>) target(%dma_start3A_78 : memref<128x128xf32, #tpu.memory_space<hbm>>) target_semaphore(%run_scoped3A : memref<!tpu.dma_semaphore, #tpu.memory_space<semaphore_mem>>)
      %dma_wait3A_79 = arith.constant 0 : i32
      %dma_wait3A_80 = tpu.memref_slice %arg5[%add3A_70, %dma_wait3A_79] : memref<20480x128xf32, #tpu.memory_space<hbm>> -> memref<128x128xf32, #tpu.memory_space<hbm>>
      %dma_wait3A_81 = arith.constant 0 : i32
      %dma_wait3A_82 = tpu.memref_slice %arg5[%add3A_70, %dma_wait3A_81] : memref<20480x128xf32, #tpu.memory_space<hbm>> -> memref<128x128xf32, #tpu.memory_space<hbm>>
      tpu.wait_dma2 semaphore(%run_scoped3A : memref<!tpu.dma_semaphore, #tpu.memory_space<semaphore_mem>>) src(%arg12 : memref<128x128xf32, #tpu.memory_space<vmem>>) dst(%dma_wait3A_82 : memref<128x128xf32, #tpu.memory_space<hbm>>)
      tpu.yield
    }) : () -> ()
    %add3A_71 = arith.constant 512 : i32
    %add3A_72 = arith.addi %mul3A_8, %add3A_71 : i32
    "tpu.region"() ({
      %run_scoped3A = tpu.sem_alloc : memref<!tpu.dma_semaphore, #tpu.memory_space<semaphore_mem>>
      %dma_start3A_75 = arith.constant 0 : i32
      %dma_start3A_76 = tpu.memref_slice %arg13[%add3A_72, %dma_start3A_75] : memref<10240x128xf32, #tpu.memory_space<vmem_shared>> -> memref<128x128xf32, #tpu.memory_space<vmem_shared>>
      %dma_start3A_77 = arith.constant 0 : i32
      %dma_start3A_78 = tpu.memref_slice %arg13[%add3A_72, %dma_start3A_77] : memref<10240x128xf32, #tpu.memory_space<vmem_shared>> -> memref<128x128xf32, #tpu.memory_space<vmem_shared>>
      tpu.enqueue_dma source(%dma_start3A_78 : memref<128x128xf32, #tpu.memory_space<vmem_shared>>) target(%arg12 : memref<128x128xf32, #tpu.memory_space<vmem>>) target_semaphore(%run_scoped3A : memref<!tpu.dma_semaphore, #tpu.memory_space<semaphore_mem>>)
      %dma_wait3A_79 = arith.constant 0 : i32
      %dma_wait3A_80 = tpu.memref_slice %arg13[%add3A_72, %dma_wait3A_79] : memref<10240x128xf32, #tpu.memory_space<vmem_shared>> -> memref<128x128xf32, #tpu.memory_space<vmem_shared>>
      %dma_wait3A_81 = arith.constant 0 : i32
      %dma_wait3A_82 = tpu.memref_slice %arg13[%add3A_72, %dma_wait3A_81] : memref<10240x128xf32, #tpu.memory_space<vmem_shared>> -> memref<128x128xf32, #tpu.memory_space<vmem_shared>>
      tpu.wait_dma2 semaphore(%run_scoped3A : memref<!tpu.dma_semaphore, #tpu.memory_space<semaphore_mem>>) src(%dma_wait3A_82 : memref<128x128xf32, #tpu.memory_space<vmem_shared>>) dst(%arg12 : memref<128x128xf32, #tpu.memory_space<vmem>>)
      tpu.yield
    }) : () -> ()
    %add3A_73 = arith.constant 512 : i32
    %add3A_74 = arith.addi %add3A_54, %add3A_73 : i32
    "tpu.region"() ({
      %run_scoped3A = tpu.sem_alloc : memref<!tpu.dma_semaphore, #tpu.memory_space<semaphore_mem>>
      %dma_start3A_75 = arith.constant 0 : i32
      %dma_start3A_76 = tpu.memref_slice %arg5[%add3A_74, %dma_start3A_75] : memref<20480x128xf32, #tpu.memory_space<hbm>> -> memref<128x128xf32, #tpu.memory_space<hbm>>
      %dma_start3A_77 = arith.constant 0 : i32
      %dma_start3A_78 = tpu.memref_slice %arg5[%add3A_74, %dma_start3A_77] : memref<20480x128xf32, #tpu.memory_space<hbm>> -> memref<128x128xf32, #tpu.memory_space<hbm>>
      tpu.enqueue_dma source(%arg12 : memref<128x128xf32, #tpu.memory_space<vmem>>) target(%dma_start3A_78 : memref<128x128xf32, #tpu.memory_space<hbm>>) target_semaphore(%run_scoped3A : memref<!tpu.dma_semaphore, #tpu.memory_space<semaphore_mem>>)
      %dma_wait3A_79 = arith.constant 0 : i32
      %dma_wait3A_80 = tpu.memref_slice %arg5[%add3A_74, %dma_wait3A_79] : memref<20480x128xf32, #tpu.memory_space<hbm>> -> memref<128x128xf32, #tpu.memory_space<hbm>>
      %dma_wait3A_81 = arith.constant 0 : i32
      %dma_wait3A_82 = tpu.memref_slice %arg5[%add3A_74, %dma_wait3A_81] : memref<20480x128xf32, #tpu.memory_space<hbm>> -> memref<128x128xf32, #tpu.memory_space<hbm>>
      tpu.wait_dma2 semaphore(%run_scoped3A : memref<!tpu.dma_semaphore, #tpu.memory_space<semaphore_mem>>) src(%arg12 : memref<128x128xf32, #tpu.memory_space<vmem>>) dst(%dma_wait3A_82 : memref<128x128xf32, #tpu.memory_space<hbm>>)
      tpu.yield
    }) : () -> ()
    return
  }
}

module attributes {stable_mosaic.version = 14 : i64} {
  func.func @_head_kernel(%arg0: memref<10000x128xf32, #tpu.memory_space<vmem>>, %arg1: memref<10000x128xf32, #tpu.memory_space<vmem>>, %arg2: memref<10000x1xi32, #tpu.memory_space<vmem>>, %arg3: memref<256x384xf32, #tpu.memory_space<vmem>>, %arg4: memref<1x384xf32, #tpu.memory_space<vmem>>, %arg5: memref<384x10xf32, #tpu.memory_space<vmem>>, %arg6: memref<1x10xf32, #tpu.memory_space<vmem>>, %arg7: memref<64x10xf32, #tpu.memory_space<vmem>>) attributes {dimension_semantics = [], scalar_prefetch = 0 : i64, scratch_operands = 0 : i64, tpu.core_type = #tpu.core_type<tc>} {
    %iota3A = tpu.iota {dimensions = array<i32: 1>} : vector<10000x64xi32>
    %get3A = arith.constant 0 : index
    %get3A_0 = arith.constant 0 : index
    %get3A_1 = vector.load %arg2[%get3A, %get3A_0] : memref<10000x1xi32, #tpu.memory_space<vmem>>, vector<10000x1xi32>
    %eq3A = vector.broadcast %get3A_1 : vector<10000x1xi32> to vector<10000x64xi32>
    %eq3A_2 = arith.cmpi eq, %iota3A, %eq3A : vector<10000x64xi32>
    %jit3A = arith.constant 1.000000e+00 : f32
    %jit3A_3 = arith.constant 0.000000e+00 : f32
    %broadcast_in_dim3A = vector.broadcast %jit3A : f32 to vector<10000x64xf32>
    %broadcast_in_dim3A_4 = vector.broadcast %jit3A_3 : f32 to vector<10000x64xf32>
    %select_n3A = arith.select %eq3A_2, %broadcast_in_dim3A, %broadcast_in_dim3A_4 : vector<10000x64xi1>, vector<10000x64xf32>
    %get3A_5 = arith.constant 0 : index
    %get3A_6 = arith.constant 0 : index
    %get3A_7 = vector.load %arg0[%get3A_5, %get3A_6] : memref<10000x128xf32, #tpu.memory_space<vmem>>, vector<10000x128xf32>
    %dot_general3A = arith.constant dense<0.000000e+00> : vector<64x128xf32>
    %dot_general3A_8 = tpu.matmul %select_n3A, %get3A_7, %dot_general3A {dimension_numbers = #tpu.dot_dimension_numbers<[0], [0], [1], [1], [0, 1, 1, 1], [], []>, precision = #tpu.contract_precision<fp32>, transpose_lhs_hint = false} : vector<10000x64xf32>, vector<10000x128xf32>, vector<64x128xf32> -> vector<64x128xf32>
    %get3A_9 = arith.constant 0 : index
    %get3A_10 = arith.constant 0 : index
    %get3A_11 = vector.load %arg1[%get3A_9, %get3A_10] : memref<10000x128xf32, #tpu.memory_space<vmem>>, vector<10000x128xf32>
    %dot_general3A_12 = arith.constant dense<0.000000e+00> : vector<64x128xf32>
    %dot_general3A_13 = tpu.matmul %select_n3A, %get3A_11, %dot_general3A_12 {dimension_numbers = #tpu.dot_dimension_numbers<[0], [0], [1], [1], [0, 1, 1, 1], [], []>, precision = #tpu.contract_precision<fp32>, transpose_lhs_hint = false} : vector<10000x64xf32>, vector<10000x128xf32>, vector<64x128xf32> -> vector<64x128xf32>
    %concatenate3A = tpu.concatenate %dot_general3A_8, %dot_general3A_13 in 1 : vector<64x128xf32>, vector<64x128xf32> -> vector<64x256xf32>
    %get3A_14 = arith.constant 0 : index
    %get3A_15 = arith.constant 0 : index
    %get3A_16 = vector.load %arg3[%get3A_14, %get3A_15] : memref<256x384xf32, #tpu.memory_space<vmem>>, vector<256x384xf32>
    %dot_general3A_17 = arith.constant dense<0.000000e+00> : vector<64x384xf32>
    %dot_general3A_18 = tpu.matmul %concatenate3A, %get3A_16, %dot_general3A_17 {dimension_numbers = #tpu.dot_dimension_numbers<[1], [0], [0], [1], [0, 0, 1, 1], [], []>, precision = #tpu.contract_precision<fp32>, transpose_lhs_hint = false} : vector<64x256xf32>, vector<256x384xf32>, vector<64x384xf32> -> vector<64x384xf32>
    %get3A_19 = arith.constant 0 : index
    %get3A_20 = arith.constant 0 : index
    %get3A_21 = vector.load %arg4[%get3A_19, %get3A_20] : memref<1x384xf32, #tpu.memory_space<vmem>>, vector<1x384xf32>
    %add3A = vector.broadcast %get3A_21 : vector<1x384xf32> to vector<64x384xf32>
    %add3A_22 = arith.addf %dot_general3A_18, %add3A : vector<64x384xf32>
    %max3A = arith.constant 0.000000e+00 : f32
    %max3A_23 = vector.broadcast %max3A : f32 to vector<64x384xf32>
    %max3A_24 = arith.maximumf %add3A_22, %max3A_23 : vector<64x384xf32>
    %get3A_25 = arith.constant 0 : index
    %get3A_26 = arith.constant 0 : index
    %get3A_27 = vector.load %arg5[%get3A_25, %get3A_26] : memref<384x10xf32, #tpu.memory_space<vmem>>, vector<384x10xf32>
    %dot_general3A_28 = arith.constant dense<0.000000e+00> : vector<64x10xf32>
    %dot_general3A_29 = tpu.matmul %max3A_24, %get3A_27, %dot_general3A_28 {dimension_numbers = #tpu.dot_dimension_numbers<[1], [0], [0], [1], [0, 0, 1, 1], [], []>, precision = #tpu.contract_precision<fp32>, transpose_lhs_hint = false} : vector<64x384xf32>, vector<384x10xf32>, vector<64x10xf32> -> vector<64x10xf32>
    %get3A_30 = arith.constant 0 : index
    %get3A_31 = arith.constant 0 : index
    %get3A_32 = vector.load %arg6[%get3A_30, %get3A_31] : memref<1x10xf32, #tpu.memory_space<vmem>>, vector<1x10xf32>
    %add3A_33 = vector.broadcast %get3A_32 : vector<1x10xf32> to vector<64x10xf32>
    %add3A_34 = arith.addf %dot_general3A_29, %add3A_33 : vector<64x10xf32>
    %reduce_max3A = arith.constant dense<0xFF800000> : vector<64xf32>
    %reduce_max3A_35 = vector.multi_reduction <maximumf>, %add3A_34, %reduce_max3A [1] : vector<64x10xf32> to vector<64xf32>
    %broadcast_in_dim3A_36 = vector.shape_cast %reduce_max3A_35 : vector<64xf32> to vector<64x1xf32>
    %sub3A = vector.broadcast %broadcast_in_dim3A_36 : vector<64x1xf32> to vector<64x10xf32>
    %sub3A_37 = arith.subf %add3A_34, %sub3A : vector<64x10xf32>
    %exp3A = math.exp %sub3A_37 : vector<64x10xf32>
    %reduce_sum3A = arith.constant dense<0.000000e+00> : vector<64xf32>
    %reduce_sum3A_38 = vector.multi_reduction <add>, %exp3A, %reduce_sum3A [1] : vector<64x10xf32> to vector<64xf32>
    %broadcast_in_dim3A_39 = vector.shape_cast %reduce_sum3A_38 : vector<64xf32> to vector<64x1xf32>
    %log3A = math.log %broadcast_in_dim3A_39 : vector<64x1xf32>
    %sub3A_40 = vector.broadcast %log3A : vector<64x1xf32> to vector<64x10xf32>
    %sub3A_41 = arith.subf %sub3A_37, %sub3A_40 : vector<64x10xf32>
    %swap3A = arith.constant 0 : index
    %swap3A_42 = arith.constant 0 : index
    %swap3A_43 = vector.load %arg7[%swap3A, %swap3A_42] : memref<64x10xf32, #tpu.memory_space<vmem>>, vector<64x10xf32>
    tpu.vector_store %arg7[%swap3A, %swap3A_42], %sub3A_41 {strides = array<i32>} : memref<64x10xf32, #tpu.memory_space<vmem>>, vector<64x10xf32>,
    return
  }
}

module attributes {stable_mosaic.version = 14 : i64} {
  func.func @_mlp_kernel(%arg0: memref<10000x128xf32, #tpu.memory_space<vmem>>, %arg1: memref<20480x128xf32, #tpu.memory_space<vmem>>, %arg2: memref<128x128xf32, #tpu.memory_space<vmem>>, %arg3: memref<1x128xf32, #tpu.memory_space<vmem>>, %arg4: memref<1x128xf32, #tpu.memory_space<vmem>>, %arg5: memref<1x128xf32, #tpu.memory_space<vmem>>, %arg6: memref<128x128xf32, #tpu.memory_space<vmem>>, %arg7: memref<1x128xf32, #tpu.memory_space<vmem>>, %arg8: memref<10000x128xf32, #tpu.memory_space<vmem>>) attributes {dimension_semantics = [], scalar_prefetch = 0 : i64, scratch_operands = 0 : i64, tpu.core_type = #tpu.core_type<tc>} {
    %get3A = arith.constant 0 : index
    %get3A_0 = arith.constant 0 : index
    %get3A_1 = vector.load %arg0[%get3A, %get3A_0] : memref<10000x128xf32, #tpu.memory_space<vmem>>, vector<10000x128xf32>
    %get3A_2 = arith.constant 0 : index
    %get3A_3 = arith.constant 0 : index
    %get3A_4 = vector.load %arg1[%get3A_2, %get3A_3] : memref<20480x128xf32, #tpu.memory_space<vmem>>, vector<10000x128xf32>
    %add3A = arith.addf %get3A_1, %get3A_4 : vector<10000x128xf32>
    %get3A_5 = arith.constant 10240 : index
    %get3A_6 = arith.constant 0 : index
    %get3A_7 = vector.load %arg1[%get3A_5, %get3A_6] : memref<20480x128xf32, #tpu.memory_space<vmem>>, vector<10000x128xf32>
    %add3A_8 = arith.addf %add3A, %get3A_7 : vector<10000x128xf32>
    %get3A_9 = arith.constant 0 : index
    %get3A_10 = arith.constant 0 : index
    %get3A_11 = vector.load %arg2[%get3A_9, %get3A_10] : memref<128x128xf32, #tpu.memory_space<vmem>>, vector<128x128xf32>
    %dot_general3A = arith.constant dense<0.000000e+00> : vector<10000x128xf32>
    %dot_general3A_12 = tpu.matmul %add3A_8, %get3A_11, %dot_general3A {dimension_numbers = #tpu.dot_dimension_numbers<[1], [0], [0], [1], [0, 0, 1, 1], [], []>, precision = #tpu.contract_precision<fp32>, transpose_lhs_hint = false} : vector<10000x128xf32>, vector<128x128xf32>, vector<10000x128xf32> -> vector<10000x128xf32>
    %get3A_13 = arith.constant 0 : index
    %get3A_14 = arith.constant 0 : index
    %get3A_15 = vector.load %arg3[%get3A_13, %get3A_14] : memref<1x128xf32, #tpu.memory_space<vmem>>, vector<1x128xf32>
    %add3A_16 = vector.broadcast %get3A_15 : vector<1x128xf32> to vector<10000x128xf32>
    %add3A_17 = arith.addf %dot_general3A_12, %add3A_16 : vector<10000x128xf32>
    %reduce_sum3A = arith.constant dense<0.000000e+00> : vector<128xf32>
    %reduce_sum3A_18 = vector.multi_reduction <add>, %add3A_17, %reduce_sum3A [0] : vector<10000x128xf32> to vector<128xf32>
    %broadcast_in_dim3A = vector.shape_cast %reduce_sum3A_18 : vector<128xf32> to vector<1x128xf32>
    %div3A = arith.constant 1.000000e+04 : f32
    %div3A_19 = vector.broadcast %div3A : f32 to vector<1x128xf32>
    %div3A_20 = arith.divf %broadcast_in_dim3A, %div3A_19 : vector<1x128xf32>
    %sub3A = vector.broadcast %div3A_20 : vector<1x128xf32> to vector<10000x128xf32>
    %sub3A_21 = arith.subf %add3A_17, %sub3A : vector<10000x128xf32>
    %sub3A_22 = vector.broadcast %div3A_20 : vector<1x128xf32> to vector<10000x128xf32>
    %sub3A_23 = arith.subf %add3A_17, %sub3A_22 : vector<10000x128xf32>
    %mul3A = arith.mulf %sub3A_21, %sub3A_23 : vector<10000x128xf32>
    %reduce_sum3A_24 = arith.constant dense<0.000000e+00> : vector<128xf32>
    %reduce_sum3A_25 = vector.multi_reduction <add>, %mul3A, %reduce_sum3A_24 [0] : vector<10000x128xf32> to vector<128xf32>
    %broadcast_in_dim3A_26 = vector.shape_cast %reduce_sum3A_25 : vector<128xf32> to vector<1x128xf32>
    %div3A_27 = arith.constant 1.000000e+04 : f32
    %div3A_28 = vector.broadcast %div3A_27 : f32 to vector<1x128xf32>
    %div3A_29 = arith.divf %broadcast_in_dim3A_26, %div3A_28 : vector<1x128xf32>
    %sub3A_30 = vector.broadcast %div3A_20 : vector<1x128xf32> to vector<10000x128xf32>
    %sub3A_31 = arith.subf %add3A_17, %sub3A_30 : vector<10000x128xf32>
    %add3A_32 = arith.constant 9.99999974E-6 : f32
    %add3A_33 = vector.broadcast %add3A_32 : f32 to vector<1x128xf32>
    %add3A_34 = arith.addf %div3A_29, %add3A_33 : vector<1x128xf32>
    %rsqrt3A = math.rsqrt %add3A_34 : vector<1x128xf32>
    %mul3A_35 = vector.broadcast %rsqrt3A : vector<1x128xf32> to vector<10000x128xf32>
    %mul3A_36 = arith.mulf %sub3A_31, %mul3A_35 : vector<10000x128xf32>
    %get3A_37 = arith.constant 0 : index
    %get3A_38 = arith.constant 0 : index
    %get3A_39 = vector.load %arg4[%get3A_37, %get3A_38] : memref<1x128xf32, #tpu.memory_space<vmem>>, vector<1x128xf32>
    %mul3A_40 = vector.broadcast %get3A_39 : vector<1x128xf32> to vector<10000x128xf32>
    %mul3A_41 = arith.mulf %mul3A_36, %mul3A_40 : vector<10000x128xf32>
    %get3A_42 = arith.constant 0 : index
    %get3A_43 = arith.constant 0 : index
    %get3A_44 = vector.load %arg5[%get3A_42, %get3A_43] : memref<1x128xf32, #tpu.memory_space<vmem>>, vector<1x128xf32>
    %add3A_45 = vector.broadcast %get3A_44 : vector<1x128xf32> to vector<10000x128xf32>
    %add3A_46 = arith.addf %mul3A_41, %add3A_45 : vector<10000x128xf32>
    %max3A = arith.constant 0.000000e+00 : f32
    %max3A_47 = vector.broadcast %max3A : f32 to vector<10000x128xf32>
    %max3A_48 = arith.maximumf %add3A_46, %max3A_47 : vector<10000x128xf32>
    %get3A_49 = arith.constant 0 : index
    %get3A_50 = arith.constant 0 : index
    %get3A_51 = vector.load %arg6[%get3A_49, %get3A_50] : memref<128x128xf32, #tpu.memory_space<vmem>>, vector<128x128xf32>
    %dot_general3A_52 = arith.constant dense<0.000000e+00> : vector<10000x128xf32>
    %dot_general3A_53 = tpu.matmul %max3A_48, %get3A_51, %dot_general3A_52 {dimension_numbers = #tpu.dot_dimension_numbers<[1], [0], [0], [1], [0, 0, 1, 1], [], []>, precision = #tpu.contract_precision<fp32>, transpose_lhs_hint = false} : vector<10000x128xf32>, vector<128x128xf32>, vector<10000x128xf32> -> vector<10000x128xf32>
    %get3A_54 = arith.constant 0 : index
    %get3A_55 = arith.constant 0 : index
    %get3A_56 = vector.load %arg7[%get3A_54, %get3A_55] : memref<1x128xf32, #tpu.memory_space<vmem>>, vector<1x128xf32>
    %add3A_57 = vector.broadcast %get3A_56 : vector<1x128xf32> to vector<10000x128xf32>
    %add3A_58 = arith.addf %dot_general3A_53, %add3A_57 : vector<10000x128xf32>
    %max3A_59 = arith.constant 0.000000e+00 : f32
    %max3A_60 = vector.broadcast %max3A_59 : f32 to vector<10000x128xf32>
    %max3A_61 = arith.maximumf %add3A_58, %max3A_60 : vector<10000x128xf32>
    %swap3A = arith.constant 0 : index
    %swap3A_62 = arith.constant 0 : index
    %swap3A_63 = vector.load %arg8[%swap3A, %swap3A_62] : memref<10000x128xf32, #tpu.memory_space<vmem>>, vector<10000x128xf32>
    tpu.vector_store %arg8[%swap3A, %swap3A_62], %max3A_61 {strides = array<i32>} : memref<10000x128xf32, #tpu.memory_space<vmem>>, vector<10000x128xf32>,
    return
  }
}

</mosaic_0001>

<sc_bundles>
// kernel: kernel.10.cloned.1.call-start
scs
__scs_entry_jumppad:
0x0: {  	(pc) =	sbr.rel $0x88, $3  }
0x1: {  	(tag) =	ssettag $0x0;
	lr =	simm.s32 $0x1  }
0x2: {  	[smem:$0x3F8E] =	sst lr;
	_ =	strace $0xD0000000  }
0x3: {  	_ = 	snop  }
0x4: {  	_ = 	snop  }
0x5: {  	_ = 	snop  }
0x6: {  	_ = 	snop  }
0x7: {  	_ = 	snop  }
__scs_overlays_trampoline_lowered:
0x8: {  	[smem:$0x3F9D] =	sst s0  }
0x9: {  	[smem:$0x3F9E] =	sst s1  }
0xa: {  	[smem:$0x3F9F] =	sst s2  }
0xb: {  	[smem:$0x3FA0] =	sst s3  }
0xc: {  	[smem:$0x3FA1] =	sst s4  }
0xd: {  	[smem:$0x3FA2] =	sst s5  }
0xe: {  	[smem:$0x3FA3] =	sst s6  }
0xf: {  	[smem:$0x3FA4] =	sst s7  }
0x10: {  	[smem:$0x3FA5] =	sst s8  }
0x11: {  	[smem:$0x3FA6] =	sst s9;
	s0 =	simm.s32 @!p0 $0x0  }
0x12: {  	s1 =	sld [smem:$0x3F8C];
	s0 =	simm.s32 @p0 $0x1  }
0x13: {  	[smem:$0x3FA7] =	sst s0;
	s0 =	simm.s32 @!p1 $0x0  }
0x14: {  	s2 =	sld [smem:$0x3F8B];
	s0 =	simm.s32 @p1 $0x1  }
0x15: {  	[smem:$0x3FA8] =	sst s0;
	s0 =	simm.s32 @!p2 $0x0  }
0x16: {  	s3 =	sld [smem:$0x3FDB];
	s0 =	simm.s32 @p2 $0x1  }
0x17: {  	s4 =	simm.s32 $0x1BF5;
	[smem:$0x3FAA] =	sst s0  }
0x18: {  	s0 =	sld [smem:$0x3F8D];
	_ =	swait.ge [sflag:s4], $0x0  }
0x19: {  	s7 =	sld [smem:$0x3F8E]  }
0x1a: {  	s8 =	sadd.s32 $0xFFFFE003, lr  }
0x1b: {  	s9 =	sadd.s32 $0xFFFFFEF7, lr;
	s5 =	simm.s32 $0xFFFFFFFF;
	p2 =	slt.u32 s8, $0xFFFFF086  }
0x1c: {  	p1 =	slt.u32 s9, $0xF7A;
	s5 =	simm.s32 @!p2 $0x0  }
0x1d: {  	s5 =	simm.s32 @p1 $0x1;
	p0 =	seq.s32 s7, s2  }
0x1e: {  	s7 =	smul.u32 @!p0 $0xF7A, s2;
	p2 =	seq.s32 @!p0 s5, $0x0  }
0x1f: {  	s9 =	smul.u32 $0xF7A, s1;
	s8 =	simm.s32 @!p0 $0x1BF5;
	p2 =	por !p2, p0  }
0x20: {  	[sflag:s8] =	ssyncset.s32 @!p0 $0xFFFFF086;
	s6 =	sadd.s32 @!p0 s3, s7;
	s7 =	simm.s32 @!p0 $0x108  }
0x21: {  	s3 =	sadd.s32 s3, s9;
	s6 =	sadd.s32 @!p0 $0x88, s6;
	s7 =	simm.s32 @p2 $0x1082  }
0x22: {  	[simem:s7], [sflag:s8] =	dma.local @!p0 [hbm:s6], $0xF7A  }
0x23: {  	s9 =	sor.u32 $0xD0000000, s2;
	s6 =	simm.s32 $0x108;
	_ =	swait.ge @!p0 [sflag:s8], $0x0  }
0x24: {  	s3 =	sadd.s32 $0x88, s3;
	s6 =	simm.s32 @!p1 $0x1082;
	[sflag:s4] =	ssyncset.s32 $0xFFFFF086  }
0x25: {  	[simem:s6], [sflag:s4] =	dma.local [hbm:s3], $0xF7A  }
0x26: {  	[smem:$0x3F8E] =	sst s1;
	(tag) =	ssettag s2;
	_ =	strace s9  }
0x27: {  	s1 =	sld [smem:$0x3F9E]  }
0x28: {  	s2 =	sld [smem:$0x3F9F]  }
0x29: {  	s4 =	sld [smem:$0x3FA1]  }
0x2a: {  	p0 =	seq.s32 s5, $0x0;
	s5 =	sld [smem:$0x3FA2]  }
0x2b: {  	s6 =	sld [smem:$0x3FA3]  }
0x2c: {  	s7 =	sld [smem:$0x3FA4]  }
0x2d: {  	s3 =	simm.s32 $0x108;
	s8 =	sld [smem:$0x3FA5]  }
0x2e: {  	s3 =	simm.s32 @!p0 $0x1082;
	s9 =	sld [smem:$0x3FA6]  }
0x2f: {  	lr =	sadd.s32 s0, s3;
	s0 =	sld [smem:$0x3F9D]  }
0x30: {  	s3 =	sld [smem:$0x3FA0]  }
0x31: {  	[smem:$0x3FA9] =	sst s10  }
0x32: {  	s10 =	sld [smem:$0x3FA7];
	_ =	sdelay $0x3  }
0x33: {  	p0 =	seq.s32 s10, $0x1;
	s10 =	sld [smem:$0x3FA9];
	_ =	sdelay $0x3  }
0x34: {  	[smem:$0x3FA9] =	sst s10  }
0x35: {  	s10 =	sld [smem:$0x3FA8];
	_ =	sdelay $0x3  }
0x36: {  	p1 =	seq.s32 s10, $0x1;
	s10 =	sld [smem:$0x3FA9];
	_ =	sdelay $0x3  }
0x37: {  	[smem:$0x3FA9] =	sst s10  }
0x38: {  	s10 =	sld [smem:$0x3FAA]  }
0x39: {  	_ = 	snop;
	(pc) =	sbr.ind lr, $3  }
0x3a: {  	_ = 	snop  }
0x3b: {  	_ = 	snop  }
0x3c: {  	p2 =	seq.s32 s10, $0x1;
	s10 =	sld [smem:$0x3FA9]  }
0x3d: {  	_ =	shalt  }
0x3e: {  	_ =	shalt  }
0x3f: {  	_ =	shalt  }
0x40: {  	_ =	shalt  }
0x41: {  	_ =	shalt  }
0x42: {  	_ =	shalt  }
0x43: {  	_ =	shalt  }
0x44: {  	_ =	shalt  }
0x45: {  	_ =	shalt  }
0x46: {  	_ =	shalt  }
0x47: {  	_ =	shalt  }
0x48: {  	_ =	shalt  }
0x49: {  	_ =	shalt  }
0x4a: {  	_ =	shalt  }
0x4b: {  	_ =	shalt  }
0x4c: {  	_ =	shalt  }
0x4d: {  	_ =	shalt  }
0x4e: {  	_ =	shalt  }
0x4f: {  	_ =	shalt  }
0x50: {  	_ =	shalt  }
0x51: {  	_ =	shalt  }
0x52: {  	_ =	shalt  }
0x53: {  	_ =	shalt  }
0x54: {  	_ =	shalt  }
0x55: {  	_ =	shalt  }
0x56: {  	_ =	shalt  }
0x57: {  	_ =	shalt  }
0x58: {  	_ =	shalt  }
0x59: {  	_ =	shalt  }
0x5a: {  	_ =	shalt  }
0x5b: {  	_ =	shalt  }
0x5c: {  	_ =	shalt  }
0x5d: {  	_ =	shalt  }
0x5e: {  	_ =	shalt  }
0x5f: {  	_ =	shalt  }
0x60: {  	_ =	shalt  }
0x61: {  	_ =	shalt  }
0x62: {  	_ =	shalt  }
0x63: {  	_ =	shalt  }
0x64: {  	_ =	shalt  }
0x65: {  	_ =	shalt  }
0x66: {  	_ =	shalt  }
0x67: {  	_ =	shalt  }
0x68: {  	_ =	shalt  }
0x69: {  	_ =	shalt  }
0x6a: {  	_ =	shalt  }
0x6b: {  	_ =	shalt  }
0x6c: {  	_ =	shalt  }
0x6d: {  	_ =	shalt  }
0x6e: {  	_ =	shalt  }
0x6f: {  	_ =	shalt  }
0x70: {  	_ =	shalt  }
0x71: {  	_ =	shalt  }
0x72: {  	_ =	shalt  }
0x73: {  	_ =	shalt  }
0x74: {  	_ =	shalt  }
0x75: {  	_ =	shalt  }
0x76: {  	_ =	shalt  }
0x77: {  	_ =	shalt  }
0x78: {  	_ =	shalt  }
0x79: {  	_ =	shalt  }
0x7a: {  	_ =	shalt  }
0x7b: {  	_ =	shalt  }
0x7c: {  	_ =	shalt  }
0x7d: {  	_ =	shalt  }
0x7e: {  	_ =	shalt  }
0x7f: {  	_ =	shalt  }
0x80: {  	_ =	shalt  }
0x81: {  	_ =	shalt  }
0x82: {  	_ =	shalt  }
0x83: {  	_ =	shalt  }
0x84: {  	_ =	shalt  }
0x85: {  	_ =	shalt  }
0x86: {  	_ =	shalt  }
0x87: {  	_ =	shalt  }
.Lfunc_end0:
.L_simem_size_0:
called_computation.1_lowered:
.L_overlay_start_0:
0x88: {  	s2 =	sld [smem:$0x3FD9]  }
0x89: {  	s3 =	sld [smem:$0x3FFE];
	_ =	sdelay $0x1  }
0x8a: {  	s1 =	srdreg.scid  }
0x8b: {  	s0 =	sand.u32 $0x1, s1  }
0x8c: {  	s16 =	sshll.u32 s0, $0xA;
	s2 =	sadd.s32 s3, s2  }
0x8d: {  	s2 =	sadd.s32 s2, s16  }
0x8e: {  	[smem:$0x3FB5] =	sst s2  }
0x8f: {  	_ = 	snop  }
0x90: {  	(tm) =	ssettm $0x1  }
0x91: {  	s17 =	sld [smem:$0x3FFB];
	_ =	sdelay $0x3  }
0x92: {  	_ =	strace s17  }
0x93: {  	s2 =	sld [smem:$0x3FFC];
	_ =	sdelay $0x3  }
0x94: {  	_ =	strace s2  }
0x95: {  	s2 =	sld [smem:$0x3FFD];
	_ =	sdelay $0x3  }
0x96: {  	_ =	strace s2  }
0x97: {  	_ =	strace $0x8FFFFFFF  }
0x98: {  	s18 =	sld [smem:$0x3FDB];
	_ =	sdelay $0x1  }
0x99: {  	s19 =	simm.s32 $_scs_section_size  }
0x9a: {  	s4 =	simm.s32 $_size__tile_overlayer_lowered;
	s5 =	simm.s32 $_tile_overlayer_lowered  }
0x9b: {  	s22 =	simm.s32 $0x1BFF;
	s21 =	sshll.u32 s5, $0x1;
	s2 =	sadd.s32 s19, s18  }
0x9c: {  	s6 =	simm.s32 $0x0;
	s20 =	sshll.u32 s4, $0x1;
	s4 =	sadd.s32 s21, s2  }
0x9d: {  	[timem:s6], [sflag:s22] =	dma.local [hbm:s4], s20  }
0x9e: {  	_ =	swait.ge [sflag:s22], s20  }
0x9f: {  	s3 =	ssub.s32 $0x0, s20;
	[sflag:s22] =	ssyncset.done $0x0  }
0xa0: {  	[sflag:s22] =	ssyncadd.s32 s3;
	_ =	sdelay $0x1  }
0xa1: {  	s23 =	simm.s32 $0x1B8B  }
0xa2: {  	_ =	swait.ge [sflag:s23], $0x1  }
0xa3: {  	[sflag:s23] =	ssyncset.done $0x0  }
0xa4: {  	s25 =	simm.s32 $0x1B8E;
	s24 =	sld [smem:$0x3FFE];
	[sflag:s23] =	ssyncadd.s32 $0xFFFFFFFF  }
0xa5: {  	s26 =	simm.s32 $execute0_lowered;
	[smem:$0x3FD2] =	sst s25  }
0xa6: {  	s4 =	sshll.u32 s26, $0x1;
	_ =	strace $0x80000049;
	[dreg:$0x1] =	wrdreg $0xFFFFFFFF  }
0xa7: {  	s28 =	simm.s32 $_size_execute0_lowered;
	s2 =	sadd.s32 s2, s4;
	[dreg:$0x0] =	wrdreg $0x0  }
0xa8: {  	s4 =	sshll.u32 s28, $0x1;
	[dreg:$0x2] =	wrdreg s2  }
0xa9: {  	[dreg:$0x3] =	wrdreg s4  }
0xaa: {  	[dreg:$0x4] =	wrdreg $0xC0  }
0xab: {  	_ =	task [dreg:s6], $0x5FFFF  }
0xac: {  	[dreg:$0x1] =	wrdreg $0xFFFFFFFF  }
0xad: {  	[dreg:$0x0] =	wrdreg $0x60  }
0xae: {  	[dreg:$0x2] =	wrdreg s24  }
0xaf: {  	[dreg:$0x3] =	wrdreg $0x92000  }
0xb0: {  	[dreg:$0x4] =	wrdreg $0x9  }
0xb1: {  	_ =	task.clear_ibuf [dreg:s6], $0x5FFFF;
	_ =	strace $0x90000049  }
0xb2: {  	s29 =	simm.s32 $0x9;
	_ =	strace $0x8000004B  }
0xb3: {  	_ =	swait.ge [sflag:s29], $0x1  }
0xb4: {  	[sflag:s29] =	ssyncadd.s32 $0xFFFFFFFF  }
0xb5: {  	_ =	strace $0x9000004B  }
0xb6: {  	_ =	sfence  }
0xb7: {  	s30 =	sld [smem:$0x0];
	_ =	sdelay $0x2  }
0xb8: {  	s31 =	sshll.u32 s1, $0xD;
	s1 =	sshrl.u32 s1, $0x2  }
0xb9: {  	s3 =	sand.u32 $0x4000, s31;
	s1 =	sadd.s32 s1, s30  }
0xba: {  	s0 =	sor.u32 s3, s0;
	s1 =	sshll.u32 s1, $0x11  }
0xbb: {  	s0 =	sor.u32 s1, s0  }
0xbc: {  	s0 =	sadd.s32 $0x8F2B, s0  }
0xbd: {  	[sflag:s0] =	ssyncadd.remote.s32 $0x1  }
0xbe: {  	_ =	sfence.sel $0xFFFF  }
0xbf: {  	[dreg:$0x0] =	wrdreg $0xFFFFFFFF;
	(pc) =	sbr.abs _section_cstart, $3  }
0xc0: {  	[dreg:$0x1] =	wrdreg $0xFFFFFFFF  }
0xc1: {  	_ =	task.clear_ibuf [dreg:s6], $0x2FFFF;
	_ =	strace $0x9FFFFFFF  }
0xc2: {  	(tm) =	ssettm $0x7FFFFFFF  }
0xc3: {  	_ =	shalt  }
tec
execute0_lowered:
.L_overlay_start_1:
0x0: {  	(tag) =	ssettag $0x1  }
0x1: {  	s0 =	rddreg [dreg:$0x0]  }
0x2: {  	s2 =	rddreg [dreg:$0x1]  }
0x3: {  	s1 =	srdreg.scid;
	s14 =	stileid.u32;
	s3 =	simm.s32 $0x0  }
0x4: {  	s28 =	simm.s32 $0x5200;
	s29 =	simm.s32 $0x5;
	s30 =	simm.s32 $0x80  }
0x5: {  	s31 =	simm.s32 $0x1;
	s1 =	sand.u32 $0x1, s1;
	s6 =	smul.u32 $0x280, s14  }
0x6: {  	[smem:$0x7FF] =	sst s3;
	s4 =	sadd.s32 $0x17200, s0;
	s8 =	smul.u32 $0x50000, s14  }
0x7: {  	s5 =	sadd.s32 $0xD400, s0;
	s15 =	sshll.u32 s14, $0x1;
	s14 =	smul.u32 $0x4E20, s14  }
0x8: {  	s7 =	smul.u32 $0x2800, s1;
	_ =	strace $0x8000004A;
	s10 =	ssub.s32 $0x2, s1  }
0x9: {  	s11 =	sor.u32 s1, s15;
	s1 =	smul.u32 $0x2710, s1;
	s16 =	sshrl.u32 s8, $0x2  }
0xa: {  	s17 =	sshrl.u32 s10, $0x1;
	s11 =	smul.u32 $0x2710, s11;
	s7 =	sadd.s32 s6, s7  }
0xb: {  	s6 =	sadd.s32 $0x3600, s0;
	s12 =	ssub.s32 s10, s17;
	s1 =	sadd.s32 s1, s14  }
0xc: {  	s14 =	simm.s32 $0x2A00;
	s17 =	simm.s32 $0x0;
	s9 =	sshll.u32 s7, $0x4  }
0xd: {  	s7 =	sadd.s32 s16, s2;
	s11 =	sshrl.u32 s11, $0x3;
	s12 =	smax.u32 s12, $0x1  }
0xe: {  	s25 =	sadd.s32 $0xF0, s1;
	s13 =	sadd.s32 s5, s11;
	[dreg:$0xc] =	wrdreg s12  }
0xf: {  	s18 =	sadd.s32 $0xA, s11;
	s15 =	sadd.s32 s6, s11;
	[dreg:$0x3] =	wrdreg s13  }
0x10: {  	s16 =	simm.s32 $0x4;
	[dreg:$0x4] =	wrdreg s15;
	s19 =	sadd.s32 s5, s18  }
0x11: {  	s0 =	sadd.s32 s9, s0;
	s13 =	sadd.s32 s6, s18;
	[dreg:$0x5] =	wrdreg s19  }
0x12: {  	s8 =	sadd.s32 $0x4000, s7;
	s20 =	sadd.s32 $0x3E400, s0;
	[dreg:$0x6] =	wrdreg s13  }
0x13: {  	s9 =	sadd.s32 $0x8000, s7;
	s21 =	sadd.s32 $0x3EC00, s0;
	[dreg:$0x7] =	wrdreg s20  }
0x14: {  	s10 =	sadd.s32 $0xC000, s7;
	s22 =	sadd.s32 $0x3F400, s0;
	[dreg:$0x8] =	wrdreg s21  }
0x15: {  	s24 =	sadd.s32 $0x4D8, s11;
	s23 =	sadd.s32 $0x3FC00, s0;
	[dreg:$0x9] =	wrdreg s22  }
0x16: {  	s11 =	sshrl.u32 s25, $0x3;
	s0 =	sadd.s32 $0x40400, s0;
	[dreg:$0xa] =	wrdreg s23  }
0x17: {  	s12 =	simm.s32 $0x180;
	s26 =	sadd.s32 s5, s24;
	[dreg:$0xb] =	wrdreg s0  }
0x18: {  	s15 =	simm.s32 $0x3;
	[dreg:$0xd] =	wrdreg s26;
	s0 =	sadd.s32 s6, s24  }
0x19: {  	s23 =	sadd.s32 s11, s6;
	s24 =	sadd.s32 s11, s5;
	s19 =	sadd.s32 $0xA0, s1  }
0x1a: {  	s26 =	sadd.s32 $0x10000, s7;
	s1 =	simm.s32 $0x200;
	s11 =	simm.s32 $0x100  }
0x1b: {  	v0 =	vimm.f32 $0.0e+00;
	s13 =	simm.s32 $0x2;
	[dreg:$0xe] =	wrdreg s0;
	s0 =	simm.s32 $0x50  }
.LBB2_1:
0x1c: {  	s18 =	simm.s32 $0x0;
	s20 =	simm.s32 $0x200  }
.LBB2_2:
0x1d: {  	p0 =	sne.s32 s20, $0xFE00;
	[tilespmem:s18+$0x5270] =	vst v0  }
0x1e: {  	[tilespmem:s18+$0x5200] =	vst v0  }
0x1f: {  	[tilespmem:s18+$0x5210] =	vst v0  }
.Ltmp0:
0x20: {  	[tilespmem:s18+$0x5220] =	vst v0;
	(pc) =	sbr.rel @p0 .LBB2_2-.Ltmp0, $4  }
0x21: {  	[tilespmem:s18+$0x5230] =	vst v0  }
0x22: {  	[tilespmem:s18+$0x5240] =	vst v0  }
0x23: {  	[tilespmem:s18+$0x5250] =	vst v0  }
0x24: {  	[tilespmem:s18+$0x5260] =	vst v0;
	s18 =	sshra.s32 s20, $0x2;
	s20 =	sadd.s32 $0x200, s20  }
0x25: {  	[tilespmem:s18+$0x5270] =	vst v0  }
0x26: {  	[tilespmem:s18+$0x5200] =	vst v0  }
0x27: {  	[tilespmem:s18+$0x5210] =	vst v0  }
0x28: {  	[tilespmem:s18+$0x5220] =	vst v0  }
0x29: {  	[tilespmem:s18+$0x5230] =	vst v0  }
0x2a: {  	[tilespmem:s18+$0x5240] =	vst v0  }
0x2b: {  	[tilespmem:s18+$0x5250] =	vst v0  }
0x2c: {  	[tilespmem:s18+$0x5260] =	vst v0  }
0x2d: {  	[spmem:s7] =	stream.linear.scatter [tilespmem:s28], [sflag:$0x5], $0x4000, $0x38;
	[tilespmem:$0x1D200] =	vst v63  }
0x2e: {  	_ =	swait.ge [sflag:s29], $0x4000  }
0x2f: {  	[sflag:s29] =	ssyncset.done $0x0  }
0x30: {  	[sflag:s29] =	ssyncadd.s32 $0xFFFFC000  }
0x31: {  	[spmem:s8] =	stream.linear.scatter [tilespmem:s28], [sflag:$0x5], $0x4000, $0x38;
	[tilespmem:$0x1D200] =	vst v63  }
0x32: {  	_ =	swait.ge [sflag:s29], $0x4000  }
0x33: {  	[sflag:s29] =	ssyncset.done $0x0  }
0x34: {  	[sflag:s29] =	ssyncadd.s32 $0xFFFFC000  }
0x35: {  	[spmem:s9] =	stream.linear.scatter [tilespmem:s28], [sflag:$0x5], $0x4000, $0x38;
	[tilespmem:$0x1D200] =	vst v63  }
0x36: {  	_ =	swait.ge [sflag:s29], $0x4000  }
0x37: {  	[sflag:s29] =	ssyncset.done $0x0  }
0x38: {  	[sflag:s29] =	ssyncadd.s32 $0xFFFFC000  }
0x39: {  	[spmem:s10] =	stream.linear.scatter [tilespmem:s28], [sflag:$0x5], $0x4000, $0x38;
	[tilespmem:$0x1D200] =	vst v63  }
0x3a: {  	_ =	swait.ge [sflag:s29], $0x4000  }
0x3b: {  	[sflag:s29] =	ssyncset.done $0x0  }
0x3c: {  	[sflag:s29] =	ssyncadd.s32 $0xFFFFC000  }
0x3d: {  	[spmem:s26] =	stream.linear.scatter [tilespmem:s28], [sflag:$0x5], $0x4000, $0x38;
	[tilespmem:$0x1D200] =	vst v63  }
0x3e: {  	_ =	swait.ge [sflag:s29], $0x4000  }
0x3f: {  	[sflag:s29] =	ssyncset.done $0x0  }
0x40: {  	[sflag:s29] =	ssyncadd.s32 $0xFFFFC000  }
0x41: {  	[bflag:$0x0] =	sbarrier.arrive $0xFFFF  }
0x42: {  	s18 =	simm.s32 $0x0;
	s20 =	rddreg [dreg:$0x3]  }
0x43: {  	[tilespmem:s18], [sflag:$0x1] =	stream.linear.gather [hbm4b:s20+s18], $0x50, $0x38;
	[tilespmem:$0x1D200] =	vst v63  }
0x44: {  	s25 =	rddreg [dreg:$0x4]  }
0x45: {  	[tilespmem:s30], [sflag:$0x1] =	stream.linear.gather [hbm4b:s25+s18], $0x50, $0x38;
	[tilespmem:$0x1D200] =	vst v63  }
0x46: {  	_ =	swait.ge [sflag:s31], $0x50  }
0x47: {  	[sflag:s31] =	ssyncset.done $0x0  }
0x48: {  	[sflag:s31] =	ssyncadd.s32 $0xFFFFFFB0  }
0x49: {  	_ =	swait.ge [sflag:s31], $0x50  }
0x4a: {  	[sflag:s31] =	ssyncset.done $0x0  }
0x4b: {  	[sflag:s31] =	ssyncadd.s32 $0xFFFFFFB0  }
0x4c: {  	[tilespmem:s1], [sflag:$0x3] =	stream.indirect.gather [hbm4b:s4+s0], $0x80, s18, s0, $0xb8;
	[tilespmem:$0x1D200] =	vst v63  }
0x4d: {  	s21 =	rddreg [dreg:$0x5]  }
0x4e: {  	[tilespmem:s11], [sflag:$0x2] =	stream.linear.gather [hbm4b:s21+s18], $0x50, $0x38;
	[tilespmem:$0x1D200] =	vst v63  }
0x4f: {  	s22 =	rddreg [dreg:$0x6]  }
0x50: {  	[tilespmem:s12], [sflag:$0x2] =	stream.linear.gather [hbm4b:s22+s18], $0x50, $0x38;
	[tilespmem:$0x1D200] =	vst v63  }
0x51: {  	_ =	swait.ge [sflag:s13], $0x50  }
0x52: {  	[sflag:s13] =	ssyncset.done $0x0  }
0x53: {  	[sflag:s13] =	ssyncadd.s32 $0xFFFFFFB0  }
0x54: {  	_ =	swait.ge [sflag:s13], $0x50  }
0x55: {  	[sflag:s13] =	ssyncset.done $0x0  }
0x56: {  	[sflag:s13] =	ssyncadd.s32 $0xFFFFFFB0  }
0x57: {  	[tilespmem:s14], [sflag:$0x4] =	stream.indirect.gather [hbm4b:s4+s0], $0x80, s11, s0, $0xb8;
	[tilespmem:$0x1D200] =	vst v63  }
0x58: {  	_ =	swait.ge [sflag:s15], $0x2800  }
0x59: {  	s25 =	sshrl.u32 s19, $0x3;
	[sflag:s15] =	ssyncset.done $0x0  }
0x5a: {  	s21 =	sadd.s32 s5, s25;
	[sflag:s15] =	ssyncadd.s32 $0xFFFFD800  }
0x5b: {  	[tilespmem:s3], [sflag:$0x1] =	stream.linear.gather [hbm4b:s21+s3], $0x50, $0x38;
	[tilespmem:$0x1D200] =	vst v63  }
0x5c: {  	s18 =	sadd.s32 s6, s25  }
0x5d: {  	[tilespmem:s30], [sflag:$0x1] =	stream.linear.gather [hbm4b:s18+s3], $0x50, $0x38;
	[tilespmem:$0x1D200] =	vst v63  }
0x5e: {  	_ = 	snop  }
0x5f: {  	[spmem:s2] =	stream.indirect.scatter.add.f32 [tilespmem:s1], [sflag:$0x5], $0x80, s30, s0, $0xb8;
	[tilespmem:$0x1D200] =	vst v63  }
0x60: {  	_ =	swait.ge [sflag:s29], $0x2800  }
0x61: {  	[sflag:s29] =	ssyncset.done $0x0  }
0x62: {  	[sflag:s29] =	ssyncadd.s32 $0xFFFFD800  }
0x63: {  	_ =	swait.ge [sflag:s31], $0x50  }
0x64: {  	[sflag:s31] =	ssyncset.done $0x0  }
0x65: {  	[sflag:s31] =	ssyncadd.s32 $0xFFFFFFB0  }
0x66: {  	_ =	swait.ge [sflag:s31], $0x50  }
0x67: {  	[sflag:s31] =	ssyncset.done $0x0  }
0x68: {  	[sflag:s31] =	ssyncadd.s32 $0xFFFFFFB0  }
0x69: {  	[tilespmem:s1], [sflag:$0x3] =	stream.indirect.gather [hbm4b:s4+s0], $0x80, s3, s0, $0xb8;
	[tilespmem:$0x1D200] =	vst v63  }
0x6a: {  	_ =	swait.ge [sflag:s16], $0x2800  }
0x6b: {  	[sflag:s16] =	ssyncset.done $0x0  }
0x6c: {  	s22 =	sadd.s32 $0x0, s24;
	[sflag:s16] =	ssyncadd.s32 $0xFFFFD800  }
0x6d: {  	[tilespmem:s11], [sflag:$0x2] =	stream.linear.gather [hbm4b:s22+s3], $0x50, $0x38;
	[tilespmem:$0x1D200] =	vst v63  }
0x6e: {  	s25 =	sadd.s32 $0x0, s23  }
0x6f: {  	[tilespmem:s12], [sflag:$0x2] =	stream.linear.gather [hbm4b:s25+s3], $0x50, $0x38;
	[tilespmem:$0x1D200] =	vst v63  }
0x70: {  	_ = 	snop  }
0x71: {  	[spmem:s2] =	stream.indirect.scatter.add.f32 [tilespmem:s14], [sflag:$0x5], $0x80, s12, s0, $0xb8;
	[tilespmem:$0x1D200] =	vst v63  }
0x72: {  	_ =	swait.ge [sflag:s29], $0x2800  }
0x73: {  	s18 =	simm.s32 $0x14;
	s25 =	smov.u32 s19;
	[sflag:s29] =	ssyncset.done $0x0  }
.LBB2_4:
0x74: {  	p0 =	sne.s32 s18, $0x4B0;
	[sflag:s29] =	ssyncadd.s32 $0xFFFFD800;
	s25 =	sadd.s32 $0xA0, s25  }
0x75: {  	s20 =	smov.u32 s18;
	s18 =	sadd.s32 $0x14, s18  }
0x76: {  	_ =	swait.ge [sflag:s13], $0x50  }
0x77: {  	[sflag:s13] =	ssyncset.done $0x0  }
0x78: {  	[sflag:s13] =	ssyncadd.s32 $0xFFFFFFB0  }
0x79: {  	_ =	swait.ge [sflag:s13], $0x50  }
0x7a: {  	[sflag:s13] =	ssyncset.done $0x0  }
0x7b: {  	[sflag:s13] =	ssyncadd.s32 $0xFFFFFFB0  }
0x7c: {  	[tilespmem:s14], [sflag:$0x4] =	stream.indirect.gather [hbm4b:s4+s0], $0x80, s11, s0, $0xb8;
	[tilespmem:$0x1D200] =	vst v63  }
0x7d: {  	_ =	swait.ge [sflag:s15], $0x2800  }
0x7e: {  	s21 =	sshrl.u32 s25, $0x3;
	[sflag:s15] =	ssyncset.done $0x0  }
0x7f: {  	s22 =	sadd.s32 s5, s21;
	[sflag:s15] =	ssyncadd.s32 $0xFFFFD800  }
0x80: {  	[tilespmem:s3], [sflag:$0x1] =	stream.linear.gather [hbm4b:s22+s3], $0x50, $0x38;
	[tilespmem:$0x1D200] =	vst v63  }
0x81: {  	s21 =	sadd.s32 s6, s21  }
0x82: {  	[tilespmem:s30], [sflag:$0x1] =	stream.linear.gather [hbm4b:s21+s3], $0x50, $0x38;
	[tilespmem:$0x1D200] =	vst v63  }
0x83: {  	_ = 	snop  }
0x84: {  	[spmem:s2] =	stream.indirect.scatter.add.f32 [tilespmem:s1], [sflag:$0x5], $0x80, s30, s0, $0xb8;
	[tilespmem:$0x1D200] =	vst v63  }
0x85: {  	_ =	swait.ge [sflag:s29], $0x2800  }
0x86: {  	[sflag:s29] =	ssyncset.done $0x0  }
0x87: {  	[sflag:s29] =	ssyncadd.s32 $0xFFFFD800  }
0x88: {  	_ =	swait.ge [sflag:s31], $0x50  }
0x89: {  	[sflag:s31] =	ssyncset.done $0x0  }
0x8a: {  	[sflag:s31] =	ssyncadd.s32 $0xFFFFFFB0  }
0x8b: {  	_ =	swait.ge [sflag:s31], $0x50  }
0x8c: {  	[sflag:s31] =	ssyncset.done $0x0  }
0x8d: {  	[sflag:s31] =	ssyncadd.s32 $0xFFFFFFB0  }
0x8e: {  	[tilespmem:s1], [sflag:$0x3] =	stream.indirect.gather [hbm4b:s4+s0], $0x80, s3, s0, $0xb8;
	[tilespmem:$0x1D200] =	vst v63  }
0x8f: {  	_ =	swait.ge [sflag:s16], $0x2800  }
0x90: {  	[sflag:s16] =	ssyncset.done $0x0  }
0x91: {  	s21 =	sadd.s32 s20, s24;
	[sflag:s16] =	ssyncadd.s32 $0xFFFFD800  }
0x92: {  	[tilespmem:s11], [sflag:$0x2] =	stream.linear.gather [hbm4b:s21+s3], $0x50, $0x38;
	[tilespmem:$0x1D200] =	vst v63  }
0x93: {  	s20 =	sadd.s32 s20, s23  }
0x94: {  	[tilespmem:s12], [sflag:$0x2] =	stream.linear.gather [hbm4b:s20+s3], $0x50, $0x38;
	[tilespmem:$0x1D200] =	vst v63  }
.Ltmp1:
0x95: {  	_ = 	snop;
	(pc) =	sbr.rel @p0 .LBB2_4-.Ltmp1, $4  }
0x96: {  	_ = 	snop  }
0x97: {  	[spmem:s2] =	stream.indirect.scatter.add.f32 [tilespmem:s14], [sflag:$0x5], $0x80, s12, s0, $0xb8;
	[tilespmem:$0x1D200] =	vst v63  }
0x98: {  	_ =	swait.ge [sflag:s29], $0x2800  }
0x99: {  	[sflag:s29] =	ssyncset.done $0x0  }
0x9a: {  	[sflag:s29] =	ssyncadd.s32 $0xFFFFD800  }
0x9b: {  	_ =	swait.ge [sflag:s13], $0x50  }
0x9c: {  	[sflag:s13] =	ssyncset.done $0x0  }
0x9d: {  	[sflag:s13] =	ssyncadd.s32 $0xFFFFFFB0  }
0x9e: {  	_ =	swait.ge [sflag:s13], $0x50  }
0x9f: {  	[sflag:s13] =	ssyncset.done $0x0  }
0xa0: {  	[sflag:s13] =	ssyncadd.s32 $0xFFFFFFB0  }
0xa1: {  	[tilespmem:s14], [sflag:$0x4] =	stream.indirect.gather [hbm4b:s4+s0], $0x80, s11, s0, $0xb8;
	[tilespmem:$0x1D200] =	vst v63  }
0xa2: {  	_ =	swait.ge [sflag:s15], $0x2800  }
0xa3: {  	[sflag:s15] =	ssyncset.done $0x0  }
0xa4: {  	s18 =	rddreg [dreg:$0xd];
	[sflag:s15] =	ssyncadd.s32 $0xFFFFD800  }
0xa5: {  	[tilespmem:s3], [sflag:$0x1] =	stream.linear.gather [hbm4b:s18+s3], $0x50, $0x38;
	[tilespmem:$0x1D200] =	vst v63  }
0xa6: {  	s21 =	rddreg [dreg:$0xe]  }
0xa7: {  	[tilespmem:s30], [sflag:$0x1] =	stream.linear.gather [hbm4b:s21+s3], $0x50, $0x38;
	[tilespmem:$0x1D200] =	vst v63  }
0xa8: {  	_ = 	snop  }
0xa9: {  	[spmem:s2] =	stream.indirect.scatter.add.f32 [tilespmem:s1], [sflag:$0x5], $0x80, s30, s0, $0xb8;
	[tilespmem:$0x1D200] =	vst v63  }
0xaa: {  	_ =	swait.ge [sflag:s29], $0x2800  }
0xab: {  	[sflag:s29] =	ssyncset.done $0x0  }
0xac: {  	[sflag:s29] =	ssyncadd.s32 $0xFFFFD800  }
0xad: {  	_ =	swait.ge [sflag:s31], $0x50  }
0xae: {  	[sflag:s31] =	ssyncset.done $0x0  }
0xaf: {  	[sflag:s31] =	ssyncadd.s32 $0xFFFFFFB0  }
0xb0: {  	_ =	swait.ge [sflag:s31], $0x50  }
0xb1: {  	[sflag:s31] =	ssyncset.done $0x0  }
0xb2: {  	[sflag:s31] =	ssyncadd.s32 $0xFFFFFFB0  }
0xb3: {  	[tilespmem:s1], [sflag:$0x3] =	stream.indirect.gather [hbm4b:s4+s0], $0x80, s3, s0, $0xb8;
	[tilespmem:$0x1D200] =	vst v63  }
0xb4: {  	_ =	swait.ge [sflag:s16], $0x2800  }
0xb5: {  	[sflag:s16] =	ssyncset.done $0x0  }
0xb6: {  	[sflag:s16] =	ssyncadd.s32 $0xFFFFD800  }
0xb7: {  	[spmem:s2] =	stream.indirect.scatter.add.f32 [tilespmem:s14], [sflag:$0x5], $0x80, s12, s0, $0xb8;
	[tilespmem:$0x1D200] =	vst v63  }
0xb8: {  	_ =	swait.ge [sflag:s29], $0x2800  }
0xb9: {  	[sflag:s29] =	ssyncset.done $0x0  }
0xba: {  	[sflag:s29] =	ssyncadd.s32 $0xFFFFD800  }
0xbb: {  	_ =	swait.ge [sflag:s15], $0x2800  }
0xbc: {  	[sflag:s15] =	ssyncset.done $0x0  }
0xbd: {  	[sflag:s15] =	ssyncadd.s32 $0xFFFFD800  }
0xbe: {  	[spmem:s2] =	stream.indirect.scatter.add.f32 [tilespmem:s1], [sflag:$0x5], $0x80, s30, s0, $0xb8;
	[tilespmem:$0x1D200] =	vst v63  }
0xbf: {  	_ =	swait.ge [sflag:s29], $0x2800  }
0xc0: {  	[sflag:s29] =	ssyncset.done $0x0  }
0xc1: {  	[sflag:s29] =	ssyncadd.s32 $0xFFFFD800  }
0xc2: {  	[bflag:$0x0] =	sbarrier.arrive $0xFFFF  }
0xc3: {  	[tilespmem:s28], [sflag:$0x5] =	stream.linear.gather [spmem:s7], $0x4000, $0x38;
	[tilespmem:$0x1D200] =	vst v63  }
0xc4: {  	_ =	swait.ge [sflag:s29], $0x4000  }
0xc5: {  	[sflag:s29] =	ssyncset.done $0x0  }
0xc6: {  	s22 =	rddreg [dreg:$0x7];
	[sflag:s29] =	ssyncadd.s32 $0xFFFFC000  }
0xc7: {  	[hbm4b:s22+s3] =	stream.linear.scatter [tilespmem:s28], [sflag:$0x5], $0x4000, $0x38;
	[tilespmem:$0x1D200] =	vst v63  }
0xc8: {  	_ =	swait.ge [sflag:s29], $0x4000  }
0xc9: {  	[sflag:s29] =	ssyncset.done $0x0  }
0xca: {  	[sflag:s29] =	ssyncadd.s32 $0xFFFFC000  }
0xcb: {  	[tilespmem:s28], [sflag:$0x5] =	stream.linear.gather [spmem:s8], $0x4000, $0x38;
	[tilespmem:$0x1D200] =	vst v63  }
0xcc: {  	_ =	swait.ge [sflag:s29], $0x4000  }
0xcd: {  	[sflag:s29] =	ssyncset.done $0x0  }
0xce: {  	s25 =	rddreg [dreg:$0x8];
	[sflag:s29] =	ssyncadd.s32 $0xFFFFC000  }
0xcf: {  	[hbm4b:s25+s3] =	stream.linear.scatter [tilespmem:s28], [sflag:$0x5], $0x4000, $0x38;
	[tilespmem:$0x1D200] =	vst v63  }
0xd0: {  	_ =	swait.ge [sflag:s29], $0x4000  }
0xd1: {  	[sflag:s29] =	ssyncset.done $0x0  }
0xd2: {  	[sflag:s29] =	ssyncadd.s32 $0xFFFFC000  }
0xd3: {  	[tilespmem:s28], [sflag:$0x5] =	stream.linear.gather [spmem:s9], $0x4000, $0x38;
	[tilespmem:$0x1D200] =	vst v63  }
0xd4: {  	_ =	swait.ge [sflag:s29], $0x4000  }
0xd5: {  	[sflag:s29] =	ssyncset.done $0x0  }
0xd6: {  	s20 =	rddreg [dreg:$0x9];
	[sflag:s29] =	ssyncadd.s32 $0xFFFFC000  }
0xd7: {  	[hbm4b:s20+s3] =	stream.linear.scatter [tilespmem:s28], [sflag:$0x5], $0x4000, $0x38;
	[tilespmem:$0x1D200] =	vst v63  }
0xd8: {  	_ =	swait.ge [sflag:s29], $0x4000  }
0xd9: {  	[sflag:s29] =	ssyncset.done $0x0  }
0xda: {  	[sflag:s29] =	ssyncadd.s32 $0xFFFFC000  }
0xdb: {  	[tilespmem:s28], [sflag:$0x5] =	stream.linear.gather [spmem:s10], $0x4000, $0x38;
	[tilespmem:$0x1D200] =	vst v63  }
0xdc: {  	_ =	swait.ge [sflag:s29], $0x4000  }
0xdd: {  	[sflag:s29] =	ssyncset.done $0x0  }
0xde: {  	s21 =	rddreg [dreg:$0xa];
	[sflag:s29] =	ssyncadd.s32 $0xFFFFC000  }
0xdf: {  	[hbm4b:s21+s3] =	stream.linear.scatter [tilespmem:s28], [sflag:$0x5], $0x4000, $0x38;
	[tilespmem:$0x1D200] =	vst v63  }
0xe0: {  	_ =	swait.ge [sflag:s29], $0x4000  }
0xe1: {  	[sflag:s29] =	ssyncset.done $0x0  }
0xe2: {  	[sflag:s29] =	ssyncadd.s32 $0xFFFFC000  }
0xe3: {  	[tilespmem:s28], [sflag:$0x5] =	stream.linear.gather [spmem:s26], $0x4000, $0x38;
	[tilespmem:$0x1D200] =	vst v63  }
0xe4: {  	_ =	swait.ge [sflag:s29], $0x4000  }
0xe5: {  	[sflag:s29] =	ssyncset.done $0x0  }
0xe6: {  	s22 =	rddreg [dreg:$0xb];
	[sflag:s29] =	ssyncadd.s32 $0xFFFFC000  }
0xe7: {  	[hbm4b:s22+s3] =	stream.linear.scatter [tilespmem:s28], [sflag:$0x5], $0x4000, $0x38;
	[tilespmem:$0x1D200] =	vst v63  }
0xe8: {  	_ =	swait.ge [sflag:s29], $0x4000  }
0xe9: {  	s17 =	sadd.s32 $0x1, s17;
	s25 =	rddreg [dreg:$0xc]  }
0xea: {  	p0 =	sne.s32 s17, s25  }
.Ltmp2:
0xeb: {  	_ = 	snop;
	(pc) =	sbr.rel @p0 .LBB2_1-.Ltmp2, $3  }
0xec: {  	_ =	sdelay $0x1  }
0xed: {  	[sflag:s29] =	ssyncset.done $0x0  }
0xee: {  	[sflag:s29] =	ssyncadd.s32 $0xFFFFC000  }
0xef: {  	_ =	sfence.sel $0x180000  }
0xf0: {  	[bflag:$0x0] =	sbarrier.arrive $0xFFFF  }
0xf1: {  	_ =	strace $0x9000004A  }
0xf2: {  	s0 =	stileid.u32;
	[bflag:$0x2] =	sbarrier.arrive $0xFFFF  }
0xf3: {  	p0 =	sne.s32 s0, $0x0;
	s0 =	rddreg [dreg:$0x2]  }
0xf4: {  	s0 =	sadd.s32 @!p0 $0x100000, s0  }
0xf5: {  	[sflag:s0] =	ssyncadd.tile.s32 @!p0 $0x1;
	_ =	shalt  }
.Lfunc_end2:
_tile_overlayer_lowered:
.L_overlay_start_2:
0xf6: {  	(tag) =	ssettag $0x2  }
0xf7: {  	s0 =	rddreg [dreg:$0x0];
	s2 =	stileid.u32  }
0xf8: {  	s1 =	rddreg [dreg:$0x1];
	p0 =	sne.s32 s2, $0x0  }
0xf9: {  	s3 =	rddreg [dreg:$0x2];
	[bflag:$0x3] =	sbarrier.arrive $0xFFFF;
	s2 =	simm.s32 @!p0 $0x1C05  }
0xfa: {  	[timem:s3], [sflag:s2] =	dma.local @!p0 [hbm:s0], s1  }
0xfb: {  	s0 =	simm.s32 @!p0 $0x5  }
0xfc: {  	_ =	swait.ge @!p0 [sflag:s0], s1  }
0xfd: {  	s1 =	ssub.s32 @!p0 $0x0, s1;
	[sflag:s0] =	ssyncset.done @!p0 $0x0  }
0xfe: {  	[sflag:s0] =	ssyncadd.s32 @!p0 s1  }
0xff: {  	[bflag:$0x3] =	sbarrier.arrive $0xFFFF  }
0x100: {  	_ =	shalt  }

// kernel: kernel.7.cloned.1.call-start
scs
__scs_entry_jumppad:
0x0: {  	(pc) =	sbr.rel $0x88, $3  }
0x1: {  	(tag) =	ssettag $0x0;
	lr =	simm.s32 $0x1  }
0x2: {  	[smem:$0x3F8E] =	sst lr;
	_ =	strace $0xD0000000  }
0x3: {  	_ = 	snop  }
0x4: {  	_ = 	snop  }
0x5: {  	_ = 	snop  }
0x6: {  	_ = 	snop  }
0x7: {  	_ = 	snop  }
__scs_overlays_trampoline_lowered:
0x8: {  	[smem:$0x3F9D] =	sst s0  }
0x9: {  	[smem:$0x3F9E] =	sst s1  }
0xa: {  	[smem:$0x3F9F] =	sst s2  }
0xb: {  	[smem:$0x3FA0] =	sst s3  }
0xc: {  	[smem:$0x3FA1] =	sst s4  }
0xd: {  	[smem:$0x3FA2] =	sst s5  }
0xe: {  	[smem:$0x3FA3] =	sst s6  }
0xf: {  	[smem:$0x3FA4] =	sst s7  }
0x10: {  	[smem:$0x3FA5] =	sst s8  }
0x11: {  	[smem:$0x3FA6] =	sst s9;
	s0 =	simm.s32 @!p0 $0x0  }
0x12: {  	s1 =	sld [smem:$0x3F8C];
	s0 =	simm.s32 @p0 $0x1  }
0x13: {  	[smem:$0x3FA7] =	sst s0;
	s0 =	simm.s32 @!p1 $0x0  }
0x14: {  	s2 =	sld [smem:$0x3F8B];
	s0 =	simm.s32 @p1 $0x1  }
0x15: {  	[smem:$0x3FA8] =	sst s0;
	s0 =	simm.s32 @!p2 $0x0  }
0x16: {  	s3 =	sld [smem:$0x3FDB];
	s0 =	simm.s32 @p2 $0x1  }
0x17: {  	s4 =	simm.s32 $0x1BF5;
	[smem:$0x3FAA] =	sst s0  }
0x18: {  	s0 =	sld [smem:$0x3F8D];
	_ =	swait.ge [sflag:s4], $0x0  }
0x19: {  	s7 =	sld [smem:$0x3F8E]  }
0x1a: {  	s8 =	sadd.s32 $0xFFFFE003, lr  }
0x1b: {  	s9 =	sadd.s32 $0xFFFFFEF7, lr;
	s5 =	simm.s32 $0xFFFFFFFF;
	p2 =	slt.u32 s8, $0xFFFFF086  }
0x1c: {  	p1 =	slt.u32 s9, $0xF7A;
	s5 =	simm.s32 @!p2 $0x0  }
0x1d: {  	s5 =	simm.s32 @p1 $0x1;
	p0 =	seq.s32 s7, s2  }
0x1e: {  	s7 =	smul.u32 @!p0 $0xF7A, s2;
	p2 =	seq.s32 @!p0 s5, $0x0  }
0x1f: {  	s9 =	smul.u32 $0xF7A, s1;
	s8 =	simm.s32 @!p0 $0x1BF5;
	p2 =	por !p2, p0  }
0x20: {  	[sflag:s8] =	ssyncset.s32 @!p0 $0xFFFFF086;
	s6 =	sadd.s32 @!p0 s3, s7;
	s7 =	simm.s32 @!p0 $0x108  }
0x21: {  	s3 =	sadd.s32 s3, s9;
	s6 =	sadd.s32 @!p0 $0x88, s6;
	s7 =	simm.s32 @p2 $0x1082  }
0x22: {  	[simem:s7], [sflag:s8] =	dma.local @!p0 [hbm:s6], $0xF7A  }
0x23: {  	s9 =	sor.u32 $0xD0000000, s2;
	s6 =	simm.s32 $0x108;
	_ =	swait.ge @!p0 [sflag:s8], $0x0  }
0x24: {  	s3 =	sadd.s32 $0x88, s3;
	s6 =	simm.s32 @!p1 $0x1082;
	[sflag:s4] =	ssyncset.s32 $0xFFFFF086  }
0x25: {  	[simem:s6], [sflag:s4] =	dma.local [hbm:s3], $0xF7A  }
0x26: {  	[smem:$0x3F8E] =	sst s1;
	(tag) =	ssettag s2;
	_ =	strace s9  }
0x27: {  	s1 =	sld [smem:$0x3F9E]  }
0x28: {  	s2 =	sld [smem:$0x3F9F]  }
0x29: {  	s4 =	sld [smem:$0x3FA1]  }
0x2a: {  	p0 =	seq.s32 s5, $0x0;
	s5 =	sld [smem:$0x3FA2]  }
0x2b: {  	s6 =	sld [smem:$0x3FA3]  }
0x2c: {  	s7 =	sld [smem:$0x3FA4]  }
0x2d: {  	s3 =	simm.s32 $0x108;
	s8 =	sld [smem:$0x3FA5]  }
0x2e: {  	s3 =	simm.s32 @!p0 $0x1082;
	s9 =	sld [smem:$0x3FA6]  }
0x2f: {  	lr =	sadd.s32 s0, s3;
	s0 =	sld [smem:$0x3F9D]  }
0x30: {  	s3 =	sld [smem:$0x3FA0]  }
0x31: {  	[smem:$0x3FA9] =	sst s10  }
0x32: {  	s10 =	sld [smem:$0x3FA7];
	_ =	sdelay $0x3  }
0x33: {  	p0 =	seq.s32 s10, $0x1;
	s10 =	sld [smem:$0x3FA9];
	_ =	sdelay $0x3  }
0x34: {  	[smem:$0x3FA9] =	sst s10  }
0x35: {  	s10 =	sld [smem:$0x3FA8];
	_ =	sdelay $0x3  }
0x36: {  	p1 =	seq.s32 s10, $0x1;
	s10 =	sld [smem:$0x3FA9];
	_ =	sdelay $0x3  }
0x37: {  	[smem:$0x3FA9] =	sst s10  }
0x38: {  	s10 =	sld [smem:$0x3FAA]  }
0x39: {  	_ = 	snop;
	(pc) =	sbr.ind lr, $3  }
0x3a: {  	_ = 	snop  }
0x3b: {  	_ = 	snop  }
0x3c: {  	p2 =	seq.s32 s10, $0x1;
	s10 =	sld [smem:$0x3FA9]  }
0x3d: {  	_ =	shalt  }
0x3e: {  	_ =	shalt  }
0x3f: {  	_ =	shalt  }
0x40: {  	_ =	shalt  }
0x41: {  	_ =	shalt  }
0x42: {  	_ =	shalt  }
0x43: {  	_ =	shalt  }
0x44: {  	_ =	shalt  }
0x45: {  	_ =	shalt  }
0x46: {  	_ =	shalt  }
0x47: {  	_ =	shalt  }
0x48: {  	_ =	shalt  }
0x49: {  	_ =	shalt  }
0x4a: {  	_ =	shalt  }
0x4b: {  	_ =	shalt  }
0x4c: {  	_ =	shalt  }
0x4d: {  	_ =	shalt  }
0x4e: {  	_ =	shalt  }
0x4f: {  	_ =	shalt  }
0x50: {  	_ =	shalt  }
0x51: {  	_ =	shalt  }
0x52: {  	_ =	shalt  }
0x53: {  	_ =	shalt  }
0x54: {  	_ =	shalt  }
0x55: {  	_ =	shalt  }
0x56: {  	_ =	shalt  }
0x57: {  	_ =	shalt  }
0x58: {  	_ =	shalt  }
0x59: {  	_ =	shalt  }
0x5a: {  	_ =	shalt  }
0x5b: {  	_ =	shalt  }
0x5c: {  	_ =	shalt  }
0x5d: {  	_ =	shalt  }
0x5e: {  	_ =	shalt  }
0x5f: {  	_ =	shalt  }
0x60: {  	_ =	shalt  }
0x61: {  	_ =	shalt  }
0x62: {  	_ =	shalt  }
0x63: {  	_ =	shalt  }
0x64: {  	_ =	shalt  }
0x65: {  	_ =	shalt  }
0x66: {  	_ =	shalt  }
0x67: {  	_ =	shalt  }
0x68: {  	_ =	shalt  }
0x69: {  	_ =	shalt  }
0x6a: {  	_ =	shalt  }
0x6b: {  	_ =	shalt  }
0x6c: {  	_ =	shalt  }
0x6d: {  	_ =	shalt  }
0x6e: {  	_ =	shalt  }
0x6f: {  	_ =	shalt  }
0x70: {  	_ =	shalt  }
0x71: {  	_ =	shalt  }
0x72: {  	_ =	shalt  }
0x73: {  	_ =	shalt  }
0x74: {  	_ =	shalt  }
0x75: {  	_ =	shalt  }
0x76: {  	_ =	shalt  }
0x77: {  	_ =	shalt  }
0x78: {  	_ =	shalt  }
0x79: {  	_ =	shalt  }
0x7a: {  	_ =	shalt  }
0x7b: {  	_ =	shalt  }
0x7c: {  	_ =	shalt  }
0x7d: {  	_ =	shalt  }
0x7e: {  	_ =	shalt  }
0x7f: {  	_ =	shalt  }
0x80: {  	_ =	shalt  }
0x81: {  	_ =	shalt  }
0x82: {  	_ =	shalt  }
0x83: {  	_ =	shalt  }
0x84: {  	_ =	shalt  }
0x85: {  	_ =	shalt  }
0x86: {  	_ =	shalt  }
0x87: {  	_ =	shalt  }
.Lfunc_end0:
.L_simem_size_0:
called_computation_lowered:
.L_overlay_start_0:
0x88: {  	s2 =	sld [smem:$0x3FD9]  }
0x89: {  	s3 =	sld [smem:$0x3FFE];
	_ =	sdelay $0x1  }
0x8a: {  	s1 =	srdreg.scid  }
0x8b: {  	s0 =	sand.u32 $0x1, s1  }
0x8c: {  	s17 =	sshll.u32 s0, $0xA;
	s2 =	sadd.s32 s3, s2  }
0x8d: {  	s2 =	sadd.s32 s2, s17  }
0x8e: {  	[smem:$0x3FB5] =	sst s2  }
0x8f: {  	_ = 	snop  }
0x90: {  	s2 =	sld [smem:$0x3FC9];
	(tm) =	ssettm $0x1  }
0x91: {  	s18 =	sld [smem:$0x3FFB];
	_ =	sdelay $0x3  }
0x92: {  	_ =	strace s18  }
0x93: {  	s3 =	sld [smem:$0x3FFC];
	_ =	sdelay $0x3  }
0x94: {  	_ =	strace s3  }
0x95: {  	s3 =	sld [smem:$0x3FFD];
	_ =	sdelay $0x3  }
0x96: {  	_ =	strace s3  }
0x97: {  	_ =	strace $0x8FFFFFFF  }
0x98: {  	s19 =	sld [smem:$0x3FDB];
	_ =	sdelay $0x1  }
0x99: {  	s4 =	simm.s32 $_scs_section_size  }
0x9a: {  	s5 =	simm.s32 $_size__tile_overlayer_lowered;
	s6 =	simm.s32 $_tile_overlayer_lowered  }
0x9b: {  	s22 =	simm.s32 $0x1BFF;
	s21 =	sshll.u32 s6, $0x1;
	s3 =	sadd.s32 s4, s19  }
0x9c: {  	s7 =	simm.s32 $0x0;
	s20 =	sshll.u32 s5, $0x1;
	s5 =	sadd.s32 s21, s3  }
0x9d: {  	[timem:s7], [sflag:s22] =	dma.local [hbm:s5], s20  }
0x9e: {  	_ =	swait.ge [sflag:s22], s20  }
0x9f: {  	s4 =	ssub.s32 $0x0, s20;
	[sflag:s22] =	ssyncset.done $0x0  }
0xa0: {  	[sflag:s22] =	ssyncadd.s32 s4;
	_ =	sdelay $0x1  }
0xa1: {  	s23 =	simm.s32 $0x1B8B  }
0xa2: {  	_ =	swait.ge [sflag:s23], $0x1  }
0xa3: {  	[sflag:s23] =	ssyncset.done $0x0  }
0xa4: {  	s25 =	simm.s32 $0x1B8E;
	s24 =	sld [smem:$0x3FFE];
	[sflag:s23] =	ssyncadd.s32 $0xFFFFFFFF  }
0xa5: {  	s26 =	simm.s32 $execute0_lowered;
	[smem:$0x3FD2] =	sst s25  }
0xa6: {  	s5 =	sshll.u32 s26, $0x1;
	_ =	strace $0x80000046;
	[dreg:$0x1] =	wrdreg $0xFFFFFFFF  }
0xa7: {  	s28 =	simm.s32 $_size_execute0_lowered;
	s3 =	sadd.s32 s3, s5;
	[dreg:$0x0] =	wrdreg $0x0  }
0xa8: {  	s5 =	sshll.u32 s28, $0x1;
	[dreg:$0x2] =	wrdreg s3  }
0xa9: {  	[dreg:$0x3] =	wrdreg s5  }
0xaa: {  	[dreg:$0x4] =	wrdreg $0xC0  }
0xab: {  	_ =	task [dreg:s7], $0x5FFFF  }
0xac: {  	[dreg:$0x1] =	wrdreg $0xFFFFFFFF  }
0xad: {  	[dreg:$0x0] =	wrdreg $0x60  }
0xae: {  	[dreg:$0x2] =	wrdreg s2  }
0xaf: {  	[dreg:$0x3] =	wrdreg s24  }
0xb0: {  	[dreg:$0x4] =	wrdreg $0x92000  }
0xb1: {  	[dreg:$0x5] =	wrdreg $0x9  }
0xb2: {  	_ =	task.clear_ibuf [dreg:s7], $0x6FFFF;
	_ =	strace $0x90000046  }
0xb3: {  	s29 =	simm.s32 $0x9;
	_ =	strace $0x80000048  }
0xb4: {  	_ =	swait.ge [sflag:s29], $0x1  }
0xb5: {  	[sflag:s29] =	ssyncadd.s32 $0xFFFFFFFF  }
0xb6: {  	_ =	strace $0x90000048  }
0xb7: {  	_ =	sfence  }
0xb8: {  	s30 =	sld [smem:$0x0];
	_ =	sdelay $0x2  }
0xb9: {  	s31 =	sshll.u32 s1, $0xD;
	s1 =	sshrl.u32 s1, $0x2  }
0xba: {  	s3 =	sand.u32 $0x4000, s31;
	s1 =	sadd.s32 s1, s30  }
0xbb: {  	s0 =	sor.u32 s3, s0;
	s1 =	sshll.u32 s1, $0x11  }
0xbc: {  	s0 =	sor.u32 s1, s0  }
0xbd: {  	s0 =	sadd.s32 $0x8F2B, s0  }
0xbe: {  	[sflag:s0] =	ssyncadd.remote.s32 $0x1  }
0xbf: {  	_ =	sfence.sel $0xFFFF  }
0xc0: {  	[dreg:$0x0] =	wrdreg $0xFFFFFFFF;
	(pc) =	sbr.abs _section_cstart, $3  }
0xc1: {  	[dreg:$0x1] =	wrdreg $0xFFFFFFFF  }
0xc2: {  	_ =	task.clear_ibuf [dreg:s7], $0x2FFFF;
	_ =	strace $0x9FFFFFFF  }
0xc3: {  	(tm) =	ssettm $0x7FFFFFFF  }
tec
execute0_lowered:
.L_overlay_start_1:
0x0: {  	(tag) =	ssettag $0x1  }
0x1: {  	s1 =	rddreg [dreg:$0x0]  }
0x2: {  	s0 =	rddreg [dreg:$0x1]  }
0x3: {  	s3 =	rddreg [dreg:$0x2]  }
0x4: {  	s2 =	srdreg.scid;
	s14 =	stileid.u32  }
0x5: {  	s4 =	simm.s32 $0x0;
	s28 =	simm.s32 $0x5200;
	s29 =	simm.s32 $0x5  }
0x6: {  	s30 =	simm.s32 $0x80;
	s31 =	simm.s32 $0x1;
	s6 =	smul.u32 $0x280, s14  }
0x7: {  	s2 =	sand.u32 $0x1, s2;
	[smem:$0x7FF] =	sst s4;
	s8 =	smul.u32 $0x50000, s14  }
0x8: {  	s5 =	sadd.s32 $0xD400, s0;
	s15 =	sshll.u32 s14, $0x1;
	s14 =	smul.u32 $0x4E20, s14  }
0x9: {  	s7 =	smul.u32 $0x2800, s2;
	_ =	strace $0x80000047;
	s10 =	ssub.s32 $0x2, s2  }
0xa: {  	s11 =	sor.u32 s2, s15;
	s2 =	smul.u32 $0x2710, s2;
	s16 =	sshrl.u32 s8, $0x2  }
0xb: {  	s17 =	sshrl.u32 s10, $0x1;
	s11 =	smul.u32 $0x2710, s11;
	s7 =	sadd.s32 s6, s7  }
0xc: {  	s6 =	sadd.s32 $0x3600, s0;
	s12 =	ssub.s32 s10, s17;
	s2 =	sadd.s32 s2, s14  }
0xd: {  	s14 =	simm.s32 $0x2A00;
	s17 =	simm.s32 $0x0;
	s9 =	sshll.u32 s7, $0x4  }
0xe: {  	s7 =	sadd.s32 s16, s3;
	s11 =	sshrl.u32 s11, $0x3;
	s12 =	smax.u32 s12, $0x1  }
0xf: {  	s25 =	sadd.s32 $0xF0, s2;
	s13 =	sadd.s32 s5, s11;
	[dreg:$0xd] =	wrdreg s12  }
0x10: {  	s18 =	sadd.s32 $0xA, s11;
	s15 =	sadd.s32 s6, s11;
	[dreg:$0x4] =	wrdreg s13  }
0x11: {  	s16 =	simm.s32 $0x4;
	[dreg:$0x5] =	wrdreg s15;
	s19 =	sadd.s32 s5, s18  }
0x12: {  	s0 =	sadd.s32 s9, s0;
	s13 =	sadd.s32 s6, s18;
	[dreg:$0x6] =	wrdreg s19  }
0x13: {  	s8 =	sadd.s32 $0x4000, s7;
	s20 =	sadd.s32 $0x17200, s0;
	[dreg:$0x7] =	wrdreg s13  }
0x14: {  	s9 =	sadd.s32 $0x8000, s7;
	s21 =	sadd.s32 $0x17A00, s0;
	[dreg:$0x8] =	wrdreg s20  }
0x15: {  	s10 =	sadd.s32 $0xC000, s7;
	s22 =	sadd.s32 $0x18200, s0;
	[dreg:$0x9] =	wrdreg s21  }
0x16: {  	s24 =	sadd.s32 $0x4D8, s11;
	s23 =	sadd.s32 $0x18A00, s0;
	[dreg:$0xa] =	wrdreg s22  }
0x17: {  	s11 =	sshrl.u32 s25, $0x3;
	s0 =	sadd.s32 $0x19200, s0;
	[dreg:$0xb] =	wrdreg s23  }
0x18: {  	s12 =	simm.s32 $0x180;
	s26 =	sadd.s32 s5, s24;
	[dreg:$0xc] =	wrdreg s0  }
0x19: {  	s15 =	simm.s32 $0x3;
	[dreg:$0xe] =	wrdreg s26;
	s0 =	sadd.s32 s6, s24  }
0x1a: {  	s23 =	sadd.s32 s11, s6;
	s24 =	sadd.s32 s11, s5;
	s19 =	sadd.s32 $0xA0, s2  }
0x1b: {  	s26 =	sadd.s32 $0x10000, s7;
	s2 =	simm.s32 $0x200;
	s11 =	simm.s32 $0x100  }
0x1c: {  	v0 =	vimm.f32 $0.0e+00;
	s13 =	simm.s32 $0x2;
	[dreg:$0xf] =	wrdreg s0;
	s0 =	simm.s32 $0x50  }
.LBB2_1:
0x1d: {  	s18 =	simm.s32 $0x0;
	s20 =	simm.s32 $0x200  }
.LBB2_2:
0x1e: {  	p0 =	sne.s32 s20, $0xFE00;
	[tilespmem:s18+$0x5270] =	vst v0  }
0x1f: {  	[tilespmem:s18+$0x5200] =	vst v0  }
0x20: {  	[tilespmem:s18+$0x5210] =	vst v0  }
.Ltmp0:
0x21: {  	[tilespmem:s18+$0x5220] =	vst v0;
	(pc) =	sbr.rel @p0 .LBB2_2-.Ltmp0, $4  }
0x22: {  	[tilespmem:s18+$0x5230] =	vst v0  }
0x23: {  	[tilespmem:s18+$0x5240] =	vst v0  }
0x24: {  	[tilespmem:s18+$0x5250] =	vst v0  }
0x25: {  	[tilespmem:s18+$0x5260] =	vst v0;
	s18 =	sshra.s32 s20, $0x2;
	s20 =	sadd.s32 $0x200, s20  }
0x26: {  	[tilespmem:s18+$0x5270] =	vst v0  }
0x27: {  	[tilespmem:s18+$0x5200] =	vst v0  }
0x28: {  	[tilespmem:s18+$0x5210] =	vst v0  }
0x29: {  	[tilespmem:s18+$0x5220] =	vst v0  }
0x2a: {  	[tilespmem:s18+$0x5230] =	vst v0  }
0x2b: {  	[tilespmem:s18+$0x5240] =	vst v0  }
0x2c: {  	[tilespmem:s18+$0x5250] =	vst v0  }
0x2d: {  	[tilespmem:s18+$0x5260] =	vst v0  }
0x2e: {  	[spmem:s7] =	stream.linear.scatter [tilespmem:s28], [sflag:$0x5], $0x4000, $0x38;
	[tilespmem:$0x1D200] =	vst v63  }
0x2f: {  	_ =	swait.ge [sflag:s29], $0x4000  }
0x30: {  	[sflag:s29] =	ssyncset.done $0x0  }
0x31: {  	[sflag:s29] =	ssyncadd.s32 $0xFFFFC000  }
0x32: {  	[spmem:s8] =	stream.linear.scatter [tilespmem:s28], [sflag:$0x5], $0x4000, $0x38;
	[tilespmem:$0x1D200] =	vst v63  }
0x33: {  	_ =	swait.ge [sflag:s29], $0x4000  }
0x34: {  	[sflag:s29] =	ssyncset.done $0x0  }
0x35: {  	[sflag:s29] =	ssyncadd.s32 $0xFFFFC000  }
0x36: {  	[spmem:s9] =	stream.linear.scatter [tilespmem:s28], [sflag:$0x5], $0x4000, $0x38;
	[tilespmem:$0x1D200] =	vst v63  }
0x37: {  	_ =	swait.ge [sflag:s29], $0x4000  }
0x38: {  	[sflag:s29] =	ssyncset.done $0x0  }
0x39: {  	[sflag:s29] =	ssyncadd.s32 $0xFFFFC000  }
0x3a: {  	[spmem:s10] =	stream.linear.scatter [tilespmem:s28], [sflag:$0x5], $0x4000, $0x38;
	[tilespmem:$0x1D200] =	vst v63  }
0x3b: {  	_ =	swait.ge [sflag:s29], $0x4000  }
0x3c: {  	[sflag:s29] =	ssyncset.done $0x0  }
0x3d: {  	[sflag:s29] =	ssyncadd.s32 $0xFFFFC000  }
0x3e: {  	[spmem:s26] =	stream.linear.scatter [tilespmem:s28], [sflag:$0x5], $0x4000, $0x38;
	[tilespmem:$0x1D200] =	vst v63  }
0x3f: {  	_ =	swait.ge [sflag:s29], $0x4000  }
0x40: {  	[sflag:s29] =	ssyncset.done $0x0  }
0x41: {  	[sflag:s29] =	ssyncadd.s32 $0xFFFFC000  }
0x42: {  	[bflag:$0x0] =	sbarrier.arrive $0xFFFF  }
0x43: {  	s18 =	simm.s32 $0x0;
	s20 =	rddreg [dreg:$0x4]  }
0x44: {  	[tilespmem:s18], [sflag:$0x1] =	stream.linear.gather [hbm4b:s20+s18], $0x50, $0x38;
	[tilespmem:$0x1D200] =	vst v63  }
0x45: {  	s25 =	rddreg [dreg:$0x5]  }
0x46: {  	[tilespmem:s30], [sflag:$0x1] =	stream.linear.gather [hbm4b:s25+s18], $0x50, $0x38;
	[tilespmem:$0x1D200] =	vst v63  }
0x47: {  	_ =	swait.ge [sflag:s31], $0x50  }
0x48: {  	[sflag:s31] =	ssyncset.done $0x0  }
0x49: {  	[sflag:s31] =	ssyncadd.s32 $0xFFFFFFB0  }
0x4a: {  	_ =	swait.ge [sflag:s31], $0x50  }
0x4b: {  	[sflag:s31] =	ssyncset.done $0x0  }
0x4c: {  	[sflag:s31] =	ssyncadd.s32 $0xFFFFFFB0  }
0x4d: {  	[tilespmem:s2], [sflag:$0x3] =	stream.indirect.gather [hbm4b:s1+s0], $0x80, s18, s0, $0xb8;
	[tilespmem:$0x1D200] =	vst v63  }
0x4e: {  	s21 =	rddreg [dreg:$0x6]  }
0x4f: {  	[tilespmem:s11], [sflag:$0x2] =	stream.linear.gather [hbm4b:s21+s18], $0x50, $0x38;
	[tilespmem:$0x1D200] =	vst v63  }
0x50: {  	s22 =	rddreg [dreg:$0x7]  }
0x51: {  	[tilespmem:s12], [sflag:$0x2] =	stream.linear.gather [hbm4b:s22+s18], $0x50, $0x38;
	[tilespmem:$0x1D200] =	vst v63  }
0x52: {  	_ =	swait.ge [sflag:s13], $0x50  }
0x53: {  	[sflag:s13] =	ssyncset.done $0x0  }
0x54: {  	[sflag:s13] =	ssyncadd.s32 $0xFFFFFFB0  }
0x55: {  	_ =	swait.ge [sflag:s13], $0x50  }
0x56: {  	[sflag:s13] =	ssyncset.done $0x0  }
0x57: {  	[sflag:s13] =	ssyncadd.s32 $0xFFFFFFB0  }
0x58: {  	[tilespmem:s14], [sflag:$0x4] =	stream.indirect.gather [hbm4b:s1+s0], $0x80, s11, s0, $0xb8;
	[tilespmem:$0x1D200] =	vst v63  }
0x59: {  	_ =	swait.ge [sflag:s15], $0x2800  }
0x5a: {  	s25 =	sshrl.u32 s19, $0x3;
	[sflag:s15] =	ssyncset.done $0x0  }
0x5b: {  	s21 =	sadd.s32 s5, s25;
	[sflag:s15] =	ssyncadd.s32 $0xFFFFD800  }
0x5c: {  	[tilespmem:s4], [sflag:$0x1] =	stream.linear.gather [hbm4b:s21+s4], $0x50, $0x38;
	[tilespmem:$0x1D200] =	vst v63  }
0x5d: {  	s18 =	sadd.s32 s6, s25  }
0x5e: {  	[tilespmem:s30], [sflag:$0x1] =	stream.linear.gather [hbm4b:s18+s4], $0x50, $0x38;
	[tilespmem:$0x1D200] =	vst v63  }
0x5f: {  	_ = 	snop  }
0x60: {  	[spmem:s3] =	stream.indirect.scatter.add.f32 [tilespmem:s2], [sflag:$0x5], $0x80, s30, s0, $0xb8;
	[tilespmem:$0x1D200] =	vst v63  }
0x61: {  	_ =	swait.ge [sflag:s29], $0x2800  }
0x62: {  	[sflag:s29] =	ssyncset.done $0x0  }
0x63: {  	[sflag:s29] =	ssyncadd.s32 $0xFFFFD800  }
0x64: {  	_ =	swait.ge [sflag:s31], $0x50  }
0x65: {  	[sflag:s31] =	ssyncset.done $0x0  }
0x66: {  	[sflag:s31] =	ssyncadd.s32 $0xFFFFFFB0  }
0x67: {  	_ =	swait.ge [sflag:s31], $0x50  }
0x68: {  	[sflag:s31] =	ssyncset.done $0x0  }
0x69: {  	[sflag:s31] =	ssyncadd.s32 $0xFFFFFFB0  }
0x6a: {  	[tilespmem:s2], [sflag:$0x3] =	stream.indirect.gather [hbm4b:s1+s0], $0x80, s4, s0, $0xb8;
	[tilespmem:$0x1D200] =	vst v63  }
0x6b: {  	_ =	swait.ge [sflag:s16], $0x2800  }
0x6c: {  	[sflag:s16] =	ssyncset.done $0x0  }
0x6d: {  	s22 =	sadd.s32 $0x0, s24;
	[sflag:s16] =	ssyncadd.s32 $0xFFFFD800  }
0x6e: {  	[tilespmem:s11], [sflag:$0x2] =	stream.linear.gather [hbm4b:s22+s4], $0x50, $0x38;
	[tilespmem:$0x1D200] =	vst v63  }
0x6f: {  	s25 =	sadd.s32 $0x0, s23  }
0x70: {  	[tilespmem:s12], [sflag:$0x2] =	stream.linear.gather [hbm4b:s25+s4], $0x50, $0x38;
	[tilespmem:$0x1D200] =	vst v63  }
0x71: {  	_ = 	snop  }
0x72: {  	[spmem:s3] =	stream.indirect.scatter.add.f32 [tilespmem:s14], [sflag:$0x5], $0x80, s12, s0, $0xb8;
	[tilespmem:$0x1D200] =	vst v63  }
0x73: {  	_ =	swait.ge [sflag:s29], $0x2800  }
0x74: {  	s18 =	simm.s32 $0x14;
	s25 =	smov.u32 s19;
	[sflag:s29] =	ssyncset.done $0x0  }
.LBB2_4:
0x75: {  	p0 =	sne.s32 s18, $0x4B0;
	[sflag:s29] =	ssyncadd.s32 $0xFFFFD800;
	s25 =	sadd.s32 $0xA0, s25  }
0x76: {  	s20 =	smov.u32 s18;
	s18 =	sadd.s32 $0x14, s18  }
0x77: {  	_ =	swait.ge [sflag:s13], $0x50  }
0x78: {  	[sflag:s13] =	ssyncset.done $0x0  }
0x79: {  	[sflag:s13] =	ssyncadd.s32 $0xFFFFFFB0  }
0x7a: {  	_ =	swait.ge [sflag:s13], $0x50  }
0x7b: {  	[sflag:s13] =	ssyncset.done $0x0  }
0x7c: {  	[sflag:s13] =	ssyncadd.s32 $0xFFFFFFB0  }
0x7d: {  	[tilespmem:s14], [sflag:$0x4] =	stream.indirect.gather [hbm4b:s1+s0], $0x80, s11, s0, $0xb8;
	[tilespmem:$0x1D200] =	vst v63  }
0x7e: {  	_ =	swait.ge [sflag:s15], $0x2800  }
0x7f: {  	s21 =	sshrl.u32 s25, $0x3;
	[sflag:s15] =	ssyncset.done $0x0  }
0x80: {  	s22 =	sadd.s32 s5, s21;
	[sflag:s15] =	ssyncadd.s32 $0xFFFFD800  }
0x81: {  	[tilespmem:s4], [sflag:$0x1] =	stream.linear.gather [hbm4b:s22+s4], $0x50, $0x38;
	[tilespmem:$0x1D200] =	vst v63  }
0x82: {  	s21 =	sadd.s32 s6, s21  }
0x83: {  	[tilespmem:s30], [sflag:$0x1] =	stream.linear.gather [hbm4b:s21+s4], $0x50, $0x38;
	[tilespmem:$0x1D200] =	vst v63  }
0x84: {  	_ = 	snop  }
0x85: {  	[spmem:s3] =	stream.indirect.scatter.add.f32 [tilespmem:s2], [sflag:$0x5], $0x80, s30, s0, $0xb8;
	[tilespmem:$0x1D200] =	vst v63  }
0x86: {  	_ =	swait.ge [sflag:s29], $0x2800  }
0x87: {  	[sflag:s29] =	ssyncset.done $0x0  }
0x88: {  	[sflag:s29] =	ssyncadd.s32 $0xFFFFD800  }
0x89: {  	_ =	swait.ge [sflag:s31], $0x50  }
0x8a: {  	[sflag:s31] =	ssyncset.done $0x0  }
0x8b: {  	[sflag:s31] =	ssyncadd.s32 $0xFFFFFFB0  }
0x8c: {  	_ =	swait.ge [sflag:s31], $0x50  }
0x8d: {  	[sflag:s31] =	ssyncset.done $0x0  }
0x8e: {  	[sflag:s31] =	ssyncadd.s32 $0xFFFFFFB0  }
0x8f: {  	[tilespmem:s2], [sflag:$0x3] =	stream.indirect.gather [hbm4b:s1+s0], $0x80, s4, s0, $0xb8;
	[tilespmem:$0x1D200] =	vst v63  }
0x90: {  	_ =	swait.ge [sflag:s16], $0x2800  }
0x91: {  	[sflag:s16] =	ssyncset.done $0x0  }
0x92: {  	s21 =	sadd.s32 s20, s24;
	[sflag:s16] =	ssyncadd.s32 $0xFFFFD800  }
0x93: {  	[tilespmem:s11], [sflag:$0x2] =	stream.linear.gather [hbm4b:s21+s4], $0x50, $0x38;
	[tilespmem:$0x1D200] =	vst v63  }
0x94: {  	s20 =	sadd.s32 s20, s23  }
0x95: {  	[tilespmem:s12], [sflag:$0x2] =	stream.linear.gather [hbm4b:s20+s4], $0x50, $0x38;
	[tilespmem:$0x1D200] =	vst v63  }
.Ltmp1:
0x96: {  	_ = 	snop;
	(pc) =	sbr.rel @p0 .LBB2_4-.Ltmp1, $4  }
0x97: {  	_ = 	snop  }
0x98: {  	[spmem:s3] =	stream.indirect.scatter.add.f32 [tilespmem:s14], [sflag:$0x5], $0x80, s12, s0, $0xb8;
	[tilespmem:$0x1D200] =	vst v63  }
0x99: {  	_ =	swait.ge [sflag:s29], $0x2800  }
0x9a: {  	[sflag:s29] =	ssyncset.done $0x0  }
0x9b: {  	[sflag:s29] =	ssyncadd.s32 $0xFFFFD800  }
0x9c: {  	_ =	swait.ge [sflag:s13], $0x50  }
0x9d: {  	[sflag:s13] =	ssyncset.done $0x0  }
0x9e: {  	[sflag:s13] =	ssyncadd.s32 $0xFFFFFFB0  }
0x9f: {  	_ =	swait.ge [sflag:s13], $0x50  }
0xa0: {  	[sflag:s13] =	ssyncset.done $0x0  }
0xa1: {  	[sflag:s13] =	ssyncadd.s32 $0xFFFFFFB0  }
0xa2: {  	[tilespmem:s14], [sflag:$0x4] =	stream.indirect.gather [hbm4b:s1+s0], $0x80, s11, s0, $0xb8;
	[tilespmem:$0x1D200] =	vst v63  }
0xa3: {  	_ =	swait.ge [sflag:s15], $0x2800  }
0xa4: {  	[sflag:s15] =	ssyncset.done $0x0  }
0xa5: {  	s18 =	rddreg [dreg:$0xe];
	[sflag:s15] =	ssyncadd.s32 $0xFFFFD800  }
0xa6: {  	[tilespmem:s4], [sflag:$0x1] =	stream.linear.gather [hbm4b:s18+s4], $0x50, $0x38;
	[tilespmem:$0x1D200] =	vst v63  }
0xa7: {  	s21 =	rddreg [dreg:$0xf]  }
0xa8: {  	[tilespmem:s30], [sflag:$0x1] =	stream.linear.gather [hbm4b:s21+s4], $0x50, $0x38;
	[tilespmem:$0x1D200] =	vst v63  }
0xa9: {  	_ = 	snop  }
0xaa: {  	[spmem:s3] =	stream.indirect.scatter.add.f32 [tilespmem:s2], [sflag:$0x5], $0x80, s30, s0, $0xb8;
	[tilespmem:$0x1D200] =	vst v63  }
0xab: {  	_ =	swait.ge [sflag:s29], $0x2800  }
0xac: {  	[sflag:s29] =	ssyncset.done $0x0  }
0xad: {  	[sflag:s29] =	ssyncadd.s32 $0xFFFFD800  }
0xae: {  	_ =	swait.ge [sflag:s31], $0x50  }
0xaf: {  	[sflag:s31] =	ssyncset.done $0x0  }
0xb0: {  	[sflag:s31] =	ssyncadd.s32 $0xFFFFFFB0  }
0xb1: {  	_ =	swait.ge [sflag:s31], $0x50  }
0xb2: {  	[sflag:s31] =	ssyncset.done $0x0  }
0xb3: {  	[sflag:s31] =	ssyncadd.s32 $0xFFFFFFB0  }
0xb4: {  	[tilespmem:s2], [sflag:$0x3] =	stream.indirect.gather [hbm4b:s1+s0], $0x80, s4, s0, $0xb8;
	[tilespmem:$0x1D200] =	vst v63  }
0xb5: {  	_ =	swait.ge [sflag:s16], $0x2800  }
0xb6: {  	[sflag:s16] =	ssyncset.done $0x0  }
0xb7: {  	[sflag:s16] =	ssyncadd.s32 $0xFFFFD800  }
0xb8: {  	[spmem:s3] =	stream.indirect.scatter.add.f32 [tilespmem:s14], [sflag:$0x5], $0x80, s12, s0, $0xb8;
	[tilespmem:$0x1D200] =	vst v63  }
0xb9: {  	_ =	swait.ge [sflag:s29], $0x2800  }
0xba: {  	[sflag:s29] =	ssyncset.done $0x0  }
0xbb: {  	[sflag:s29] =	ssyncadd.s32 $0xFFFFD800  }
0xbc: {  	_ =	swait.ge [sflag:s15], $0x2800  }
0xbd: {  	[sflag:s15] =	ssyncset.done $0x0  }
0xbe: {  	[sflag:s15] =	ssyncadd.s32 $0xFFFFD800  }
0xbf: {  	[spmem:s3] =	stream.indirect.scatter.add.f32 [tilespmem:s2], [sflag:$0x5], $0x80, s30, s0, $0xb8;
	[tilespmem:$0x1D200] =	vst v63  }
0xc0: {  	_ =	swait.ge [sflag:s29], $0x2800  }
0xc1: {  	[sflag:s29] =	ssyncset.done $0x0  }
0xc2: {  	[sflag:s29] =	ssyncadd.s32 $0xFFFFD800  }
0xc3: {  	[bflag:$0x0] =	sbarrier.arrive $0xFFFF  }
0xc4: {  	[tilespmem:s28], [sflag:$0x5] =	stream.linear.gather [spmem:s7], $0x4000, $0x38;
	[tilespmem:$0x1D200] =	vst v63  }
0xc5: {  	_ =	swait.ge [sflag:s29], $0x4000  }
0xc6: {  	[sflag:s29] =	ssyncset.done $0x0  }
0xc7: {  	s22 =	rddreg [dreg:$0x8];
	[sflag:s29] =	ssyncadd.s32 $0xFFFFC000  }
0xc8: {  	[hbm4b:s22+s4] =	stream.linear.scatter [tilespmem:s28], [sflag:$0x5], $0x4000, $0x38;
	[tilespmem:$0x1D200] =	vst v63  }
0xc9: {  	_ =	swait.ge [sflag:s29], $0x4000  }
0xca: {  	[sflag:s29] =	ssyncset.done $0x0  }
0xcb: {  	[sflag:s29] =	ssyncadd.s32 $0xFFFFC000  }
0xcc: {  	[tilespmem:s28], [sflag:$0x5] =	stream.linear.gather [spmem:s8], $0x4000, $0x38;
	[tilespmem:$0x1D200] =	vst v63  }
0xcd: {  	_ =	swait.ge [sflag:s29], $0x4000  }
0xce: {  	[sflag:s29] =	ssyncset.done $0x0  }
0xcf: {  	s25 =	rddreg [dreg:$0x9];
	[sflag:s29] =	ssyncadd.s32 $0xFFFFC000  }
0xd0: {  	[hbm4b:s25+s4] =	stream.linear.scatter [tilespmem:s28], [sflag:$0x5], $0x4000, $0x38;
	[tilespmem:$0x1D200] =	vst v63  }
0xd1: {  	_ =	swait.ge [sflag:s29], $0x4000  }
0xd2: {  	[sflag:s29] =	ssyncset.done $0x0  }
0xd3: {  	[sflag:s29] =	ssyncadd.s32 $0xFFFFC000  }
0xd4: {  	[tilespmem:s28], [sflag:$0x5] =	stream.linear.gather [spmem:s9], $0x4000, $0x38;
	[tilespmem:$0x1D200] =	vst v63  }
0xd5: {  	_ =	swait.ge [sflag:s29], $0x4000  }
0xd6: {  	[sflag:s29] =	ssyncset.done $0x0  }
0xd7: {  	s20 =	rddreg [dreg:$0xa];
	[sflag:s29] =	ssyncadd.s32 $0xFFFFC000  }
0xd8: {  	[hbm4b:s20+s4] =	stream.linear.scatter [tilespmem:s28], [sflag:$0x5], $0x4000, $0x38;
	[tilespmem:$0x1D200] =	vst v63  }
0xd9: {  	_ =	swait.ge [sflag:s29], $0x4000  }
0xda: {  	[sflag:s29] =	ssyncset.done $0x0  }
0xdb: {  	[sflag:s29] =	ssyncadd.s32 $0xFFFFC000  }
0xdc: {  	[tilespmem:s28], [sflag:$0x5] =	stream.linear.gather [spmem:s10], $0x4000, $0x38;
	[tilespmem:$0x1D200] =	vst v63  }
0xdd: {  	_ =	swait.ge [sflag:s29], $0x4000  }
0xde: {  	[sflag:s29] =	ssyncset.done $0x0  }
0xdf: {  	s21 =	rddreg [dreg:$0xb];
	[sflag:s29] =	ssyncadd.s32 $0xFFFFC000  }
0xe0: {  	[hbm4b:s21+s4] =	stream.linear.scatter [tilespmem:s28], [sflag:$0x5], $0x4000, $0x38;
	[tilespmem:$0x1D200] =	vst v63  }
0xe1: {  	_ =	swait.ge [sflag:s29], $0x4000  }
0xe2: {  	[sflag:s29] =	ssyncset.done $0x0  }
0xe3: {  	[sflag:s29] =	ssyncadd.s32 $0xFFFFC000  }
0xe4: {  	[tilespmem:s28], [sflag:$0x5] =	stream.linear.gather [spmem:s26], $0x4000, $0x38;
	[tilespmem:$0x1D200] =	vst v63  }
0xe5: {  	_ =	swait.ge [sflag:s29], $0x4000  }
0xe6: {  	[sflag:s29] =	ssyncset.done $0x0  }
0xe7: {  	s22 =	rddreg [dreg:$0xc];
	[sflag:s29] =	ssyncadd.s32 $0xFFFFC000  }
0xe8: {  	[hbm4b:s22+s4] =	stream.linear.scatter [tilespmem:s28], [sflag:$0x5], $0x4000, $0x38;
	[tilespmem:$0x1D200] =	vst v63  }
0xe9: {  	_ =	swait.ge [sflag:s29], $0x4000  }
0xea: {  	s17 =	sadd.s32 $0x1, s17;
	s25 =	rddreg [dreg:$0xd]  }
0xeb: {  	p0 =	sne.s32 s17, s25  }
.Ltmp2:
0xec: {  	_ = 	snop;
	(pc) =	sbr.rel @p0 .LBB2_1-.Ltmp2, $3  }
0xed: {  	_ =	sdelay $0x1  }
0xee: {  	[sflag:s29] =	ssyncset.done $0x0  }
0xef: {  	[sflag:s29] =	ssyncadd.s32 $0xFFFFC000  }
0xf0: {  	_ =	sfence.sel $0x180000  }
0xf1: {  	[bflag:$0x0] =	sbarrier.arrive $0xFFFF  }
0xf2: {  	_ =	strace $0x90000047  }
0xf3: {  	s0 =	stileid.u32;
	[bflag:$0x2] =	sbarrier.arrive $0xFFFF  }
0xf4: {  	p0 =	sne.s32 s0, $0x0;
	s0 =	rddreg [dreg:$0x3]  }
0xf5: {  	s0 =	sadd.s32 @!p0 $0x100000, s0  }
0xf6: {  	[sflag:s0] =	ssyncadd.tile.s32 @!p0 $0x1;
	_ =	shalt  }
.Lfunc_end2:
_tile_overlayer_lowered:
.L_overlay_start_2:
0xf7: {  	(tag) =	ssettag $0x2  }
0xf8: {  	s0 =	rddreg [dreg:$0x0];
	s2 =	stileid.u32  }
0xf9: {  	s1 =	rddreg [dreg:$0x1];
	p0 =	sne.s32 s2, $0x0  }
0xfa: {  	s3 =	rddreg [dreg:$0x2];
	[bflag:$0x3] =	sbarrier.arrive $0xFFFF;
	s2 =	simm.s32 @!p0 $0x1C05  }
0xfb: {  	[timem:s3], [sflag:s2] =	dma.local @!p0 [hbm:s0], s1  }
0xfc: {  	s0 =	simm.s32 @!p0 $0x5  }
0xfd: {  	_ =	swait.ge @!p0 [sflag:s0], s1  }
0xfe: {  	s1 =	ssub.s32 @!p0 $0x0, s1;
	[sflag:s0] =	ssyncset.done @!p0 $0x0  }
0xff: {  	[sflag:s0] =	ssyncadd.s32 @!p0 s1  }
0x100: {  	[bflag:$0x3] =	sbarrier.arrive $0xFFFF  }
0x101: {  	_ =	shalt  }

</sc_bundles>
